<compile_context>
chip_gen: v7x
topology: tpu7x:2x2x1
jax: 0.10.2.dev20260603
libtpu: 0.0.44.dev20260713+nightly
codegen_flags: <defaults>
</compile_context>

<pallas_src>
import functools

import jax
import jax.numpy as jnp
from jax import lax
from jax.experimental import pallas as pl
from jax.experimental.pallas import tpu as pltpu
from jax.experimental.pallas import tpu_sc as plsc

E = 8
DM = 1024
DF = 4096
NT = 2048
K = 2
NR = NT * K

B = 256
CAP = NR + E * B
NB = CAP // B
F = 1024
NFF = DF // F
NW = 32
TPW = NT // NW
CW = 32

_SC_MESH = dict(core_axis_name="c", subcore_axis_name="s")


def _routing_meta(expert_indices):
    flat_e = expert_indices.reshape(-1).astype(jnp.int32)
    oh = (flat_e[:, None] == jnp.arange(E, dtype=jnp.int32)[None, :])
    oh = oh.astype(jnp.int32)
    cum = jnp.cumsum(oh, axis=0)
    counts = cum[-1]
    rank = jnp.sum(cum * oh, axis=1) - 1
    padded_counts = ((counts + B - 1) // B) * B
    cum_padded = jnp.cumsum(padded_counts)
    padded_starts = cum_padded - padded_counts
    ppos = jnp.sum(oh * padded_starts[None, :], axis=1) + rank
    block_expert = jnp.searchsorted(
        cum_padded, jnp.arange(NB, dtype=jnp.int32) * B, side="right"
    ).astype(jnp.int32)
    block_expert = jnp.minimum(block_expert, E - 1)
    pw = ppos.reshape(NW, TPW, K).transpose(0, 2, 1)
    return block_expert, pw


def _dispatch_rows(x, pw):
    mesh = plsc.VectorSubcoreMesh(**_SC_MESH)

    @functools.partial(
        pl.kernel,
        mesh=mesh,
        out_type=jax.ShapeDtypeStruct((CAP, DM), jnp.float32),
        scratch_types=[
            pltpu.VMEM((K, TPW), jnp.int32),
            pltpu.VMEM((TPW, DM), jnp.float32),
            pltpu.SemaphoreType.DMA,
        ],
    )
    def dispatch_k(x_hbm, pw_hbm, xs_hbm, idx_v, rows_v, sem):
        wid = lax.axis_index("s") * 2 + lax.axis_index("c")
        pltpu.sync_copy(pw_hbm.at[wid], idx_v)
        pltpu.sync_copy(x_hbm.at[pl.ds(wid * TPW, TPW)], rows_v)
        h1 = pltpu.async_copy(rows_v, xs_hbm.at[idx_v.at[0]], sem)
        h2 = pltpu.async_copy(rows_v, xs_hbm.at[idx_v.at[1]], sem)
        h1.wait()
        h2.wait()

    return dispatch_k(x, pw)


def _ffn_body(be_ref, xs_ref, w1_ref, w2_ref, w3_ref, ys_ref,
              acc_ref, xb16_ref, w12b_ref, w3b_ref):
    j = pl.program_id(0)
    i = pl.program_id(1)
    base = i * B
    prev_be = be_ref[jnp.maximum(i - 1, 0)]
    fresh = jnp.logical_or(i == 0, be_ref[i] != prev_be)

    @pl.when(fresh)
    def _():
        w12b_ref[:, pl.ds(0, F)] = w1_ref[0].astype(jnp.bfloat16)
        w12b_ref[:, pl.ds(F, F)] = w2_ref[0].astype(jnp.bfloat16)
        w3b_ref[...] = w3_ref[0].astype(jnp.bfloat16)

    @pl.when(j == 0)
    def _():
        xb16_ref[pl.ds(base, B), :] = xs_ref[...].astype(jnp.bfloat16)

    xb = xb16_ref[pl.ds(base, B), :]
    gv = jnp.dot(xb, w12b_ref[...], preferred_element_type=jnp.float32)
    g = gv[:, :F]
    v = gv[:, F:]
    h = g * jax.nn.sigmoid(g) * v
    contrib = jnp.dot(h.astype(jnp.bfloat16), w3b_ref[...],
                      preferred_element_type=jnp.float32)

    @pl.when(j == 0)
    def _():
        acc_ref[pl.ds(base, B), :] = contrib.astype(jnp.bfloat16)

    @pl.when(jnp.logical_and(j != 0, j != NFF - 1))
    def _():
        acc_ref[pl.ds(base, B), :] = (
            acc_ref[pl.ds(base, B), :] + contrib.astype(jnp.bfloat16)
        )

    @pl.when(j == NFF - 1)
    def _():
        ys_ref[...] = acc_ref[pl.ds(base, B), :].astype(jnp.float32) + contrib


def _grouped_ffn(xs, block_expert, w1, w2, w3):
    grid_spec = pltpu.PrefetchScalarGridSpec(
        num_scalar_prefetch=1,
        grid=(NFF, NB),
        in_specs=[
            pl.BlockSpec((B, DM), lambda j, i, be: (jnp.where(j == 0, i, 0), 0)),
            pl.BlockSpec((1, DM, F), lambda j, i, be: (be[i], 0, j)),
            pl.BlockSpec((1, DM, F), lambda j, i, be: (be[i], 0, j)),
            pl.BlockSpec((1, F, DM), lambda j, i, be: (be[i], j, 0)),
        ],
        out_specs=pl.BlockSpec(
            (B, DM), lambda j, i, be: (jnp.where(j == NFF - 1, i, 0), 0)
        ),
        scratch_shapes=[
            pltpu.VMEM((CAP, DM), jnp.bfloat16),
            pltpu.VMEM((CAP, DM), jnp.bfloat16),
            pltpu.VMEM((DM, 2 * F), jnp.bfloat16),
            pltpu.VMEM((F, DM), jnp.bfloat16),
        ],
    )
    return pl.pallas_call(
        _ffn_body,
        grid_spec=grid_spec,
        out_shape=jax.ShapeDtypeStruct((CAP, DM), jnp.float32),
        compiler_params=pltpu.CompilerParams(
            dimension_semantics=("arbitrary", "arbitrary"),
            vmem_limit_bytes=64 * 1024 * 1024,
        ),
    )(block_expert, xs, w1, w2, w3)


def _combine(ys, pw, wb):
    mesh = plsc.VectorSubcoreMesh(**_SC_MESH)

    @functools.partial(
        pl.kernel,
        mesh=mesh,
        out_type=jax.ShapeDtypeStruct((NT, DM), jnp.float32),
        scratch_types=[
            pltpu.VMEM((K, TPW), jnp.int32),
            pltpu.VMEM((TPW, 2 * 16), jnp.float32),
            pltpu.VMEM((CW, DM), jnp.float32),
            pltpu.VMEM((CW, DM), jnp.float32),
            pltpu.SemaphoreType.DMA,
        ],
    )
    def combine_k(ys_hbm, pw_hbm, wb_hbm, out_hbm, idx_v, w_v, a_v, b_v, sem):
        wid = lax.axis_index("s") * 2 + lax.axis_index("c")
        base = wid * TPW
        pltpu.sync_copy(pw_hbm.at[wid], idx_v)
        pltpu.sync_copy(wb_hbm.at[pl.ds(base, TPW)], w_v)

        @pl.loop(0, TPW // CW)
        def _(c):
            ha = pltpu.async_copy(
                ys_hbm.at[idx_v.at[0, pl.ds(c * CW, CW)]], a_v, sem
            )
            hb = pltpu.async_copy(
                ys_hbm.at[idx_v.at[1, pl.ds(c * CW, CW)]], b_v, sem
            )
            ha.wait()
            hb.wait()

            @pl.loop(0, CW)
            def _(r):
                w0 = w_v[c * CW + r, pl.ds(0, 16)]
                w1v = w_v[c * CW + r, pl.ds(16, 16)]

                @pl.loop(0, DM, step=64)
                def _(cc):
                    for u in range(4):
                        sl = pl.ds(cc + u * 16, 16)
                        a_v[r, sl] = w0 * a_v[r, sl] + w1v * b_v[r, sl]

            pltpu.sync_copy(a_v, out_hbm.at[pl.ds(base + c * CW, CW)])

    return combine_k(ys, pw, wb)


def kernel(x, expert_indices, expert_weights, w1, w2, w3):
    block_expert, pw = _routing_meta(expert_indices)
    ew = expert_weights.astype(jnp.float32)
    wb = jnp.repeat(ew, 16, axis=1)
    xs = _dispatch_rows(x, pw)
    ys = _grouped_ffn(xs, block_expert, w1, w2, w3)
    return _combine(ys, pw, wb)

# --- scband reference (transcript-rebuilt; emitter-appended) ---
"""Pipeline reference for scband-triton-grouped-experts-18451179504156 (READ-ONLY COPY).

The authoritative reference and input builder live on the scoring server;
editing this copy changes nothing except your own understanding.
"""

import jax, jax.numpy as jnp
import numpy as np

N_EXPERTS = 8
D_MODEL = 1024
D_FF = 4096
N_TOKENS = 2048
TOP_K = 2


def setup_inputs(seed: int = 0) -> dict:
    key = jax.random.key(seed)
    ks = jax.random.split(key, 6)
    x = jax.random.normal(ks[0], (N_TOKENS, D_MODEL), dtype=jnp.float32)
    expert_indices = jax.random.randint(ks[1], (N_TOKENS, TOP_K), 0, N_EXPERTS, dtype=jnp.int64 if jax.config.jax_enable_x64 else jnp.int32)
    expert_weights = jax.random.uniform(ks[2], (N_TOKENS, TOP_K), dtype=jnp.float32)
    # weight init matching torch _init_weights: bound = sqrt(3)*gain/sqrt(fan_in) with gain=sqrt(1/3) -> 1/sqrt(fan_in)
    b12 = 1.0 / np.sqrt(D_MODEL)
    b3 = 1.0 / np.sqrt(D_FF)
    w1 = jax.random.uniform(ks[3], (N_EXPERTS, D_MODEL, D_FF), minval=-b12, maxval=b12, dtype=jnp.float32)
    w2 = jax.random.uniform(ks[4], (N_EXPERTS, D_MODEL, D_FF), minval=-b12, maxval=b12, dtype=jnp.float32)
    w3 = jax.random.uniform(ks[5], (N_EXPERTS, D_FF, D_MODEL), minval=-b3, maxval=b3, dtype=jnp.float32)
    return {"x": x, "expert_indices": expert_indices, "expert_weights": expert_weights, "w1": w1, "w2": w2, "w3": w3}


def reference(x, expert_indices, expert_weights, w1, w2, w3):
    n_tokens, top_k = expert_indices.shape
    flat_experts = expert_indices.reshape(-1)
    flat_weights = expert_weights.reshape(-1)
    token_indices = jnp.repeat(jnp.arange(n_tokens), top_k)
    sorted_order = jnp.argsort(flat_experts, stable=True)
    sorted_token_idx = token_indices[sorted_order]
    sorted_weights = flat_weights[sorted_order]
    sorted_experts = flat_experts[sorted_order]
    # gather: coalesced expert inputs
    all_inputs = jnp.take(x, sorted_token_idx, axis=0)
    all_outputs = jnp.zeros_like(all_inputs)
    for e in range(N_EXPERTS):
        mask = (sorted_experts == e)[:, None]
        gate = jax.nn.silu(all_inputs @ w1[e])
        value = all_inputs @ w2[e]
        hidden = gate * value
        expert_out = hidden @ w3[e]
        all_outputs = jnp.where(mask, expert_out, all_outputs)
    all_outputs = all_outputs * sorted_weights[:, None]
    # scatter-add combine (index_add)
    output = jnp.zeros_like(x).at[sorted_token_idx].add(all_outputs)
    return output

if __name__ == "__main__":
    import jax
    _d = setup_inputs()
    print(jax.jit(kernel)(*tuple(_d.values())))

</pallas_src>

<mosaic_0001>
#map = affine_map<(d0, d1) -> (0, 0)>
#map1 = affine_map<(d0, d1) -> (0, 0, 0)>
module attributes {stable_mosaic.version = 14 : i64} {
  func.func @dispatch_k(%arg0: i32, %arg1: i32, %arg2: memref<2048x1024xf32, #tpu.memory_space<hbm>>, %arg3: memref<32x2x64xi32, #tpu.memory_space<hbm>>, %arg4: memref<6144x1024xf32, #tpu.memory_space<hbm>>, %arg5: memref<2x64xi32, #tpu.memory_space<vmem>>, %arg6: memref<64x1024xf32, #tpu.memory_space<vmem>>, %arg7: memref<!tpu.dma_semaphore, #tpu.memory_space<semaphore_mem>>) attributes {dimension_semantics = [#tpu.dimension_semantics<core_parallel>, #tpu.dimension_semantics<subcore_parallel>], iteration_bounds = array<i64: 2, 16>, scalar_prefetch = 0 : i64, scratch_operands = 3 : i64, tpu.core_type = #tpu.core_type<sc_vector_subcore>, window_params = [{transform_indices = #map}, {transform_indices = #map1}, {transform_indices = #map}]} {
    %mul3A = arith.constant 2 : i32
    %mul3A_0 = arith.muli %arg1, %mul3A : i32
    %add3A = arith.addi %mul3A_0, %arg0 : i32
    "tpu.region"() ({
      %run_scoped3A = tpu.sem_alloc : memref<!tpu.dma_semaphore, #tpu.memory_space<semaphore_mem>>
      %dma_start3A_29 = arith.constant 0 : i32
      %dma_start3A_30 = arith.constant 0 : i32
      %dma_start3A_31 = tpu.memref_slice %arg3[%add3A, %dma_start3A_29, %dma_start3A_30] : memref<32x2x64xi32, #tpu.memory_space<hbm>> -> memref<1x2x64xi32, #tpu.memory_space<hbm>>
      %dma_start3A_32 = tpu.memref_squeeze %dma_start3A_31 : memref<1x2x64xi32, #tpu.memory_space<hbm>> -> memref<2x64xi32, #tpu.memory_space<hbm>>
      %dma_start3A_33 = arith.constant 0 : i32
      %dma_start3A_34 = arith.constant 0 : i32
      %dma_start3A_35 = tpu.memref_slice %arg3[%add3A, %dma_start3A_33, %dma_start3A_34] : memref<32x2x64xi32, #tpu.memory_space<hbm>> -> memref<1x2x64xi32, #tpu.memory_space<hbm>>
      %dma_start3A_36 = tpu.memref_squeeze %dma_start3A_35 : memref<1x2x64xi32, #tpu.memory_space<hbm>> -> memref<2x64xi32, #tpu.memory_space<hbm>>
      tpu.enqueue_dma source(%dma_start3A_36 : memref<2x64xi32, #tpu.memory_space<hbm>>) target(%arg5 : memref<2x64xi32, #tpu.memory_space<vmem>>) target_semaphore(%run_scoped3A : memref<!tpu.dma_semaphore, #tpu.memory_space<semaphore_mem>>)
      %dma_wait3A_37 = arith.constant 0 : i32
      %dma_wait3A_38 = arith.constant 0 : i32
      %dma_wait3A_39 = tpu.memref_slice %arg3[%add3A, %dma_wait3A_37, %dma_wait3A_38] : memref<32x2x64xi32, #tpu.memory_space<hbm>> -> memref<1x2x64xi32, #tpu.memory_space<hbm>>
      %dma_wait3A_40 = tpu.memref_squeeze %dma_wait3A_39 : memref<1x2x64xi32, #tpu.memory_space<hbm>> -> memref<2x64xi32, #tpu.memory_space<hbm>>
      %dma_wait3A_41 = arith.constant 0 : i32
      %dma_wait3A_42 = arith.constant 0 : i32
      %dma_wait3A_43 = tpu.memref_slice %arg3[%add3A, %dma_wait3A_41, %dma_wait3A_42] : memref<32x2x64xi32, #tpu.memory_space<hbm>> -> memref<1x2x64xi32, #tpu.memory_space<hbm>>
      %dma_wait3A_44 = tpu.memref_squeeze %dma_wait3A_43 : memref<1x2x64xi32, #tpu.memory_space<hbm>> -> memref<2x64xi32, #tpu.memory_space<hbm>>
      tpu.wait_dma2 semaphore(%run_scoped3A : memref<!tpu.dma_semaphore, #tpu.memory_space<semaphore_mem>>) src(%dma_wait3A_44 : memref<2x64xi32, #tpu.memory_space<hbm>>) dst(%arg5 : memref<2x64xi32, #tpu.memory_space<vmem>>)
      tpu.yield
    }) : () -> ()
    %mul3A_1 = arith.constant 64 : i32
    %mul3A_2 = arith.muli %add3A, %mul3A_1 : i32
    "tpu.region"() ({
      %run_scoped3A = tpu.sem_alloc : memref<!tpu.dma_semaphore, #tpu.memory_space<semaphore_mem>>
      %dma_start3A_29 = arith.constant 0 : i32
      %dma_start3A_30 = tpu.memref_slice %arg2[%mul3A_2, %dma_start3A_29] : memref<2048x1024xf32, #tpu.memory_space<hbm>> -> memref<64x1024xf32, #tpu.memory_space<hbm>>
      %dma_start3A_31 = arith.constant 0 : i32
      %dma_start3A_32 = tpu.memref_slice %arg2[%mul3A_2, %dma_start3A_31] : memref<2048x1024xf32, #tpu.memory_space<hbm>> -> memref<64x1024xf32, #tpu.memory_space<hbm>>
      tpu.enqueue_dma source(%dma_start3A_32 : memref<64x1024xf32, #tpu.memory_space<hbm>>) target(%arg6 : memref<64x1024xf32, #tpu.memory_space<vmem>>) target_semaphore(%run_scoped3A : memref<!tpu.dma_semaphore, #tpu.memory_space<semaphore_mem>>)
      %dma_wait3A_33 = arith.constant 0 : i32
      %dma_wait3A_34 = tpu.memref_slice %arg2[%mul3A_2, %dma_wait3A_33] : memref<2048x1024xf32, #tpu.memory_space<hbm>> -> memref<64x1024xf32, #tpu.memory_space<hbm>>
      %dma_wait3A_35 = arith.constant 0 : i32
      %dma_wait3A_36 = tpu.memref_slice %arg2[%mul3A_2, %dma_wait3A_35] : memref<2048x1024xf32, #tpu.memory_space<hbm>> -> memref<64x1024xf32, #tpu.memory_space<hbm>>
      tpu.wait_dma2 semaphore(%run_scoped3A : memref<!tpu.dma_semaphore, #tpu.memory_space<semaphore_mem>>) src(%dma_wait3A_36 : memref<64x1024xf32, #tpu.memory_space<hbm>>) dst(%arg6 : memref<64x1024xf32, #tpu.memory_space<vmem>>)
      tpu.yield
    }) : () -> ()
    %dma_start3A = arith.constant 0 : i32
    %dma_start3A_3 = arith.constant 0 : i32
    %dma_start3A_4 = tpu.memref_slice %arg5[%dma_start3A, %dma_start3A_3] : memref<2x64xi32, #tpu.memory_space<vmem>> -> memref<1x64xi32, #tpu.memory_space<vmem>>
    %dma_start3A_5 = tpu.memref_squeeze %dma_start3A_4 : memref<1x64xi32, #tpu.memory_space<vmem>> -> memref<64xi32, #tpu.memory_space<vmem>>
    %dma_start3A_6 = arith.constant 0 : i32
    %dma_start3A_7 = arith.constant 0 : i32
    %dma_start3A_8 = tpu.memref_slice %arg4[%dma_start3A_6, %dma_start3A_7] : memref<6144x1024xf32, #tpu.memory_space<hbm>> -> memref<6144x1024xf32, #tpu.memory_space<hbm>>
    tpu.enqueue_indirect_dma source(%arg6 : memref<64x1024xf32, #tpu.memory_space<vmem>>) target(%dma_start3A_8 : memref<6144x1024xf32, #tpu.memory_space<hbm>>) offsets(%dma_start3A_5 : memref<64xi32, #tpu.memory_space<vmem>>) semaphore(%arg7 : memref<!tpu.dma_semaphore, #tpu.memory_space<semaphore_mem>>)
    %dma_start3A_9 = arith.constant 1 : i32
    %dma_start3A_10 = arith.constant 0 : i32
    %dma_start3A_11 = tpu.memref_slice %arg5[%dma_start3A_9, %dma_start3A_10] : memref<2x64xi32, #tpu.memory_space<vmem>> -> memref<1x64xi32, #tpu.memory_space<vmem>>
    %dma_start3A_12 = tpu.memref_squeeze %dma_start3A_11 : memref<1x64xi32, #tpu.memory_space<vmem>> -> memref<64xi32, #tpu.memory_space<vmem>>
    %dma_start3A_13 = arith.constant 0 : i32
    %dma_start3A_14 = arith.constant 0 : i32
    %dma_start3A_15 = tpu.memref_slice %arg4[%dma_start3A_13, %dma_start3A_14] : memref<6144x1024xf32, #tpu.memory_space<hbm>> -> memref<6144x1024xf32, #tpu.memory_space<hbm>>
    tpu.enqueue_indirect_dma source(%arg6 : memref<64x1024xf32, #tpu.memory_space<vmem>>) target(%dma_start3A_15 : memref<6144x1024xf32, #tpu.memory_space<hbm>>) offsets(%dma_start3A_12 : memref<64xi32, #tpu.memory_space<vmem>>) semaphore(%arg7 : memref<!tpu.dma_semaphore, #tpu.memory_space<semaphore_mem>>)
    %dma_wait3A = arith.constant 0 : i32
    %dma_wait3A_16 = arith.constant 0 : i32
    %dma_wait3A_17 = tpu.memref_slice %arg5[%dma_wait3A, %dma_wait3A_16] : memref<2x64xi32, #tpu.memory_space<vmem>> -> memref<1x64xi32, #tpu.memory_space<vmem>>
    %dma_wait3A_18 = tpu.memref_squeeze %dma_wait3A_17 : memref<1x64xi32, #tpu.memory_space<vmem>> -> memref<64xi32, #tpu.memory_space<vmem>>
    %dma_wait3A_19 = arith.constant 0 : i32
    %dma_wait3A_20 = arith.constant 0 : i32
    %dma_wait3A_21 = tpu.memref_slice %arg4[%dma_wait3A_19, %dma_wait3A_20] : memref<6144x1024xf32, #tpu.memory_space<hbm>> -> memref<6144x1024xf32, #tpu.memory_space<hbm>>
    tpu.wait_indirect_dma semaphore(%arg7 : memref<!tpu.dma_semaphore, #tpu.memory_space<semaphore_mem>>) src(%arg6 : memref<64x1024xf32, #tpu.memory_space<vmem>>) dst(%dma_wait3A_21 : memref<6144x1024xf32, #tpu.memory_space<hbm>>)
    %dma_wait3A_22 = arith.constant 1 : i32
    %dma_wait3A_23 = arith.constant 0 : i32
    %dma_wait3A_24 = tpu.memref_slice %arg5[%dma_wait3A_22, %dma_wait3A_23] : memref<2x64xi32, #tpu.memory_space<vmem>> -> memref<1x64xi32, #tpu.memory_space<vmem>>
    %dma_wait3A_25 = tpu.memref_squeeze %dma_wait3A_24 : memref<1x64xi32, #tpu.memory_space<vmem>> -> memref<64xi32, #tpu.memory_space<vmem>>
    %dma_wait3A_26 = arith.constant 0 : i32
    %dma_wait3A_27 = arith.constant 0 : i32
    %dma_wait3A_28 = tpu.memref_slice %arg4[%dma_wait3A_26, %dma_wait3A_27] : memref<6144x1024xf32, #tpu.memory_space<hbm>> -> memref<6144x1024xf32, #tpu.memory_space<hbm>>
    tpu.wait_indirect_dma semaphore(%arg7 : memref<!tpu.dma_semaphore, #tpu.memory_space<semaphore_mem>>) src(%arg6 : memref<64x1024xf32, #tpu.memory_space<vmem>>) dst(%dma_wait3A_28 : memref<6144x1024xf32, #tpu.memory_space<hbm>>)
    return
  }
}

#map = affine_map<(d0, d1) -> (0, 0)>
#map1 = affine_map<(d0, d1) -> (0, 0, 0)>
module attributes {stable_mosaic.version = 14 : i64} {
  func.func @combine_k(%arg0: i32, %arg1: i32, %arg2: memref<6144x1024xf32, #tpu.memory_space<hbm>>, %arg3: memref<32x2x64xi32, #tpu.memory_space<hbm>>, %arg4: memref<2048x32xf32, #tpu.memory_space<hbm>>, %arg5: memref<2048x1024xf32, #tpu.memory_space<hbm>>, %arg6: memref<2x64xi32, #tpu.memory_space<vmem>>, %arg7: memref<64x32xf32, #tpu.memory_space<vmem>>, %arg8: memref<32x1024xf32, #tpu.memory_space<vmem>>, %arg9: memref<32x1024xf32, #tpu.memory_space<vmem>>, %arg10: memref<!tpu.dma_semaphore, #tpu.memory_space<semaphore_mem>>) attributes {dimension_semantics = [#tpu.dimension_semantics<core_parallel>, #tpu.dimension_semantics<subcore_parallel>], iteration_bounds = array<i64: 2, 16>, scalar_prefetch = 0 : i64, scratch_operands = 5 : i64, tpu.core_type = #tpu.core_type<sc_vector_subcore>, window_params = [{transform_indices = #map}, {transform_indices = #map1}, {transform_indices = #map}, {transform_indices = #map}]} {
    %mul3A = arith.constant 2 : i32
    %mul3A_0 = arith.muli %arg1, %mul3A : i32
    %add3A = arith.addi %mul3A_0, %arg0 : i32
    %mul3A_1 = arith.constant 64 : i32
    %mul3A_2 = arith.muli %add3A, %mul3A_1 : i32
    "tpu.region"() ({
      %run_scoped3A = tpu.sem_alloc : memref<!tpu.dma_semaphore, #tpu.memory_space<semaphore_mem>>
      %dma_start3A = arith.constant 0 : i32
      %dma_start3A_7 = arith.constant 0 : i32
      %dma_start3A_8 = tpu.memref_slice %arg3[%add3A, %dma_start3A, %dma_start3A_7] : memref<32x2x64xi32, #tpu.memory_space<hbm>> -> memref<1x2x64xi32, #tpu.memory_space<hbm>>
      %dma_start3A_9 = tpu.memref_squeeze %dma_start3A_8 : memref<1x2x64xi32, #tpu.memory_space<hbm>> -> memref<2x64xi32, #tpu.memory_space<hbm>>
      %dma_start3A_10 = arith.constant 0 : i32
      %dma_start3A_11 = arith.constant 0 : i32
      %dma_start3A_12 = tpu.memref_slice %arg3[%add3A, %dma_start3A_10, %dma_start3A_11] : memref<32x2x64xi32, #tpu.memory_space<hbm>> -> memref<1x2x64xi32, #tpu.memory_space<hbm>>
      %dma_start3A_13 = tpu.memref_squeeze %dma_start3A_12 : memref<1x2x64xi32, #tpu.memory_space<hbm>> -> memref<2x64xi32, #tpu.memory_space<hbm>>
      tpu.enqueue_dma source(%dma_start3A_13 : memref<2x64xi32, #tpu.memory_space<hbm>>) target(%arg6 : memref<2x64xi32, #tpu.memory_space<vmem>>) target_semaphore(%run_scoped3A : memref<!tpu.dma_semaphore, #tpu.memory_space<semaphore_mem>>)
      %dma_wait3A = arith.constant 0 : i32
      %dma_wait3A_14 = arith.constant 0 : i32
      %dma_wait3A_15 = tpu.memref_slice %arg3[%add3A, %dma_wait3A, %dma_wait3A_14] : memref<32x2x64xi32, #tpu.memory_space<hbm>> -> memref<1x2x64xi32, #tpu.memory_space<hbm>>
      %dma_wait3A_16 = tpu.memref_squeeze %dma_wait3A_15 : memref<1x2x64xi32, #tpu.memory_space<hbm>> -> memref<2x64xi32, #tpu.memory_space<hbm>>
      %dma_wait3A_17 = arith.constant 0 : i32
      %dma_wait3A_18 = arith.constant 0 : i32
      %dma_wait3A_19 = tpu.memref_slice %arg3[%add3A, %dma_wait3A_17, %dma_wait3A_18] : memref<32x2x64xi32, #tpu.memory_space<hbm>> -> memref<1x2x64xi32, #tpu.memory_space<hbm>>
      %dma_wait3A_20 = tpu.memref_squeeze %dma_wait3A_19 : memref<1x2x64xi32, #tpu.memory_space<hbm>> -> memref<2x64xi32, #tpu.memory_space<hbm>>
      tpu.wait_dma2 semaphore(%run_scoped3A : memref<!tpu.dma_semaphore, #tpu.memory_space<semaphore_mem>>) src(%dma_wait3A_20 : memref<2x64xi32, #tpu.memory_space<hbm>>) dst(%arg6 : memref<2x64xi32, #tpu.memory_space<vmem>>)
      tpu.yield
    }) : () -> ()
    "tpu.region"() ({
      %run_scoped3A = tpu.sem_alloc : memref<!tpu.dma_semaphore, #tpu.memory_space<semaphore_mem>>
      %dma_start3A = arith.constant 0 : i32
      %dma_start3A_7 = tpu.memref_slice %arg4[%mul3A_2, %dma_start3A] : memref<2048x32xf32, #tpu.memory_space<hbm>> -> memref<64x32xf32, #tpu.memory_space<hbm>>
      %dma_start3A_8 = arith.constant 0 : i32
      %dma_start3A_9 = tpu.memref_slice %arg4[%mul3A_2, %dma_start3A_8] : memref<2048x32xf32, #tpu.memory_space<hbm>> -> memref<64x32xf32, #tpu.memory_space<hbm>>
      tpu.enqueue_dma source(%dma_start3A_9 : memref<64x32xf32, #tpu.memory_space<hbm>>) target(%arg7 : memref<64x32xf32, #tpu.memory_space<vmem>>) target_semaphore(%run_scoped3A : memref<!tpu.dma_semaphore, #tpu.memory_space<semaphore_mem>>)
      %dma_wait3A = arith.constant 0 : i32
      %dma_wait3A_10 = tpu.memref_slice %arg4[%mul3A_2, %dma_wait3A] : memref<2048x32xf32, #tpu.memory_space<hbm>> -> memref<64x32xf32, #tpu.memory_space<hbm>>
      %dma_wait3A_11 = arith.constant 0 : i32
      %dma_wait3A_12 = tpu.memref_slice %arg4[%mul3A_2, %dma_wait3A_11] : memref<2048x32xf32, #tpu.memory_space<hbm>> -> memref<64x32xf32, #tpu.memory_space<hbm>>
      tpu.wait_dma2 semaphore(%run_scoped3A : memref<!tpu.dma_semaphore, #tpu.memory_space<semaphore_mem>>) src(%dma_wait3A_12 : memref<64x32xf32, #tpu.memory_space<hbm>>) dst(%arg7 : memref<64x32xf32, #tpu.memory_space<vmem>>)
      tpu.yield
    }) : () -> ()
    %scan3A = arith.constant 0 : i32
    %scan3A_3 = arith.constant 2 : i32
    %scan3A_4 = arith.addi %scan3A, %scan3A_3 : i32
    %scan3A_5 = arith.constant 1 : i32
    scf.for %scan3A_7 = %scan3A to %scan3A_4 step %scan3A_5  : i32 {
      %mul3A_8 = arith.constant 1 : i32
      %mul3A_9 = arith.muli %scan3A_7, %mul3A_8 : i32
      %add3A_10 = arith.constant 0 : i32
      %add3A_11 = arith.addi %add3A_10, %mul3A_9 : i32
      %mul3A_12 = arith.constant 32 : i32
      %mul3A_13 = arith.muli %add3A_11, %mul3A_12 : i32
      %dma_start3A = arith.constant 0 : i32
      %dma_start3A_14 = tpu.memref_slice %arg6[%dma_start3A, %mul3A_13] : memref<2x64xi32, #tpu.memory_space<vmem>> -> memref<1x32xi32, #tpu.memory_space<vmem>>
      %dma_start3A_15 = tpu.memref_squeeze %dma_start3A_14 : memref<1x32xi32, #tpu.memory_space<vmem>> -> memref<32xi32, #tpu.memory_space<vmem>>
      %dma_start3A_16 = arith.constant 0 : i32
      %dma_start3A_17 = arith.constant 0 : i32
      %dma_start3A_18 = tpu.memref_slice %arg2[%dma_start3A_16, %dma_start3A_17] : memref<6144x1024xf32, #tpu.memory_space<hbm>> -> memref<6144x1024xf32, #tpu.memory_space<hbm>>
      tpu.enqueue_indirect_dma source(%dma_start3A_18 : memref<6144x1024xf32, #tpu.memory_space<hbm>>) target(%arg8 : memref<32x1024xf32, #tpu.memory_space<vmem>>) offsets(%dma_start3A_15 : memref<32xi32, #tpu.memory_space<vmem>>) semaphore(%arg10 : memref<!tpu.dma_semaphore, #tpu.memory_space<semaphore_mem>>)
      %mul3A_19 = arith.constant 32 : i32
      %mul3A_20 = arith.muli %add3A_11, %mul3A_19 : i32
      %dma_start3A_21 = arith.constant 1 : i32
      %dma_start3A_22 = tpu.memref_slice %arg6[%dma_start3A_21, %mul3A_20] : memref<2x64xi32, #tpu.memory_space<vmem>> -> memref<1x32xi32, #tpu.memory_space<vmem>>
      %dma_start3A_23 = tpu.memref_squeeze %dma_start3A_22 : memref<1x32xi32, #tpu.memory_space<vmem>> -> memref<32xi32, #tpu.memory_space<vmem>>
      %dma_start3A_24 = arith.constant 0 : i32
      %dma_start3A_25 = arith.constant 0 : i32
      %dma_start3A_26 = tpu.memref_slice %arg2[%dma_start3A_24, %dma_start3A_25] : memref<6144x1024xf32, #tpu.memory_space<hbm>> -> memref<6144x1024xf32, #tpu.memory_space<hbm>>
      tpu.enqueue_indirect_dma source(%dma_start3A_26 : memref<6144x1024xf32, #tpu.memory_space<hbm>>) target(%arg9 : memref<32x1024xf32, #tpu.memory_space<vmem>>) offsets(%dma_start3A_23 : memref<32xi32, #tpu.memory_space<vmem>>) semaphore(%arg10 : memref<!tpu.dma_semaphore, #tpu.memory_space<semaphore_mem>>)
      %dma_wait3A = arith.constant 0 : i32
      %dma_wait3A_27 = tpu.memref_slice %arg6[%dma_wait3A, %mul3A_13] : memref<2x64xi32, #tpu.memory_space<vmem>> -> memref<1x32xi32, #tpu.memory_space<vmem>>
      %dma_wait3A_28 = tpu.memref_squeeze %dma_wait3A_27 : memref<1x32xi32, #tpu.memory_space<vmem>> -> memref<32xi32, #tpu.memory_space<vmem>>
      %dma_wait3A_29 = arith.constant 0 : i32
      %dma_wait3A_30 = arith.constant 0 : i32
      %dma_wait3A_31 = tpu.memref_slice %arg2[%dma_wait3A_29, %dma_wait3A_30] : memref<6144x1024xf32, #tpu.memory_space<hbm>> -> memref<6144x1024xf32, #tpu.memory_space<hbm>>
      tpu.wait_indirect_dma semaphore(%arg10 : memref<!tpu.dma_semaphore, #tpu.memory_space<semaphore_mem>>) src(%dma_wait3A_31 : memref<6144x1024xf32, #tpu.memory_space<hbm>>) dst(%arg8 : memref<32x1024xf32, #tpu.memory_space<vmem>>)
      %dma_wait3A_32 = arith.constant 1 : i32
      %dma_wait3A_33 = tpu.memref_slice %arg6[%dma_wait3A_32, %mul3A_20] : memref<2x64xi32, #tpu.memory_space<vmem>> -> memref<1x32xi32, #tpu.memory_space<vmem>>
      %dma_wait3A_34 = tpu.memref_squeeze %dma_wait3A_33 : memref<1x32xi32, #tpu.memory_space<vmem>> -> memref<32xi32, #tpu.memory_space<vmem>>
      %dma_wait3A_35 = arith.constant 0 : i32
      %dma_wait3A_36 = arith.constant 0 : i32
      %dma_wait3A_37 = tpu.memref_slice %arg2[%dma_wait3A_35, %dma_wait3A_36] : memref<6144x1024xf32, #tpu.memory_space<hbm>> -> memref<6144x1024xf32, #tpu.memory_space<hbm>>
      tpu.wait_indirect_dma semaphore(%arg10 : memref<!tpu.dma_semaphore, #tpu.memory_space<semaphore_mem>>) src(%dma_wait3A_37 : memref<6144x1024xf32, #tpu.memory_space<hbm>>) dst(%arg9 : memref<32x1024xf32, #tpu.memory_space<vmem>>)
      %scan3A_38 = arith.constant 0 : i32
      %scan3A_39 = arith.constant 32 : i32
      %scan3A_40 = arith.addi %scan3A_38, %scan3A_39 : i32
      %scan3A_41 = arith.constant 1 : i32
      scf.for %scan3A_46 = %scan3A_38 to %scan3A_40 step %scan3A_41  : i32 {
        %mul3A_47 = arith.constant 1 : i32
        %mul3A_48 = arith.muli %scan3A_46, %mul3A_47 : i32
        %add3A_49 = arith.constant 0 : i32
        %add3A_50 = arith.addi %add3A_49, %mul3A_48 : i32
        %mul3A_51 = arith.constant 32 : i32
        %mul3A_52 = arith.muli %add3A_11, %mul3A_51 : i32
        %add3A_53 = arith.addi %mul3A_52, %add3A_50 : i32
        %get3A = arith.index_cast %add3A_53 : i32 to index
        %get3A_54 = arith.constant 0 : index
        %get3A_55 = tpu.vector_load %arg7[%get3A, %get3A_54] {strides = array<i32>} : memref<64x32xf32, #tpu.memory_space<vmem>>, vector<1x16xf32>,
        %get3A_56 = vector.shape_cast %get3A_55 : vector<1x16xf32> to vector<16xf32>
        %mul3A_57 = arith.constant 32 : i32
        %mul3A_58 = arith.muli %add3A_11, %mul3A_57 : i32
        %add3A_59 = arith.addi %mul3A_58, %add3A_50 : i32
        %get3A_60 = arith.index_cast %add3A_59 : i32 to index
        %get3A_61 = arith.constant 16 : index
        %get3A_62 = tpu.vector_load %arg7[%get3A_60, %get3A_61] {strides = array<i32>} : memref<64x32xf32, #tpu.memory_space<vmem>>, vector<1x16xf32>,
        %get3A_63 = vector.shape_cast %get3A_62 : vector<1x16xf32> to vector<16xf32>
        %scan3A_64 = arith.constant 0 : i32
        %scan3A_65 = arith.constant 16 : i32
        %scan3A_66 = arith.addi %scan3A_64, %scan3A_65 : i32
        %scan3A_67 = arith.constant 1 : i32
        scf.for %scan3A_69 = %scan3A_64 to %scan3A_66 step %scan3A_67  : i32 {
          %mul3A_70 = arith.constant 64 : i32
          %mul3A_71 = arith.muli %scan3A_69, %mul3A_70 : i32
          %add3A_72 = arith.constant 0 : i32
          %add3A_73 = arith.addi %add3A_72, %mul3A_71 : i32
          %add3A_74 = arith.constant 0 : i32
          %add3A_75 = arith.addi %add3A_73, %add3A_74 : i32
          %get3A_76 = arith.index_cast %add3A_50 : i32 to index
          %get3A_77 = arith.index_cast %add3A_75 : i32 to index
          %get3A_78 = tpu.vector_load %arg8[%get3A_76, %get3A_77] {strides = array<i32>} : memref<32x1024xf32, #tpu.memory_space<vmem>>, vector<1x16xf32>,
          %get3A_79 = vector.shape_cast %get3A_78 : vector<1x16xf32> to vector<16xf32>
          %mul3A_80 = arith.mulf %get3A_56, %get3A_79 : vector<16xf32>
          %get3A_81 = arith.index_cast %add3A_50 : i32 to index
          %get3A_82 = arith.index_cast %add3A_75 : i32 to index
          %get3A_83 = tpu.vector_load %arg9[%get3A_81, %get3A_82] {strides = array<i32>} : memref<32x1024xf32, #tpu.memory_space<vmem>>, vector<1x16xf32>,
          %get3A_84 = vector.shape_cast %get3A_83 : vector<1x16xf32> to vector<16xf32>
          %mul3A_85 = arith.mulf %get3A_63, %get3A_84 : vector<16xf32>
          %add3A_86 = arith.addf %mul3A_80, %mul3A_85 : vector<16xf32>
          %swap3A = arith.index_cast %add3A_50 : i32 to index
          %swap3A_87 = arith.index_cast %add3A_75 : i32 to index
          %swap3A_88 = tpu.vector_load %arg8[%swap3A, %swap3A_87] {strides = array<i32>} : memref<32x1024xf32, #tpu.memory_space<vmem>>, vector<1x16xf32>,
          %swap3A_89 = vector.shape_cast %swap3A_88 : vector<1x16xf32> to vector<16xf32>
          %swap3A_90 = vector.shape_cast %add3A_86 : vector<16xf32> to vector<1x16xf32>
          tpu.vector_store %arg8[%swap3A, %swap3A_87], %swap3A_90 {strides = array<i32>} : memref<32x1024xf32, #tpu.memory_space<vmem>>, vector<1x16xf32>,
          %add3A_91 = arith.constant 16 : i32
          %add3A_92 = arith.addi %add3A_73, %add3A_91 : i32
          %get3A_93 = arith.index_cast %add3A_50 : i32 to index
          %get3A_94 = arith.index_cast %add3A_92 : i32 to index
          %get3A_95 = tpu.vector_load %arg8[%get3A_93, %get3A_94] {strides = array<i32>} : memref<32x1024xf32, #tpu.memory_space<vmem>>, vector<1x16xf32>,
          %get3A_96 = vector.shape_cast %get3A_95 : vector<1x16xf32> to vector<16xf32>
          %mul3A_97 = arith.mulf %get3A_56, %get3A_96 : vector<16xf32>
          %get3A_98 = arith.index_cast %add3A_50 : i32 to index
          %get3A_99 = arith.index_cast %add3A_92 : i32 to index
          %get3A_100 = tpu.vector_load %arg9[%get3A_98, %get3A_99] {strides = array<i32>} : memref<32x1024xf32, #tpu.memory_space<vmem>>, vector<1x16xf32>,
          %get3A_101 = vector.shape_cast %get3A_100 : vector<1x16xf32> to vector<16xf32>
          %mul3A_102 = arith.mulf %get3A_63, %get3A_101 : vector<16xf32>
          %add3A_103 = arith.addf %mul3A_97, %mul3A_102 : vector<16xf32>
          %swap3A_104 = arith.index_cast %add3A_50 : i32 to index
          %swap3A_105 = arith.index_cast %add3A_92 : i32 to index
          %swap3A_106 = tpu.vector_load %arg8[%swap3A_104, %swap3A_105] {strides = array<i32>} : memref<32x1024xf32, #tpu.memory_space<vmem>>, vector<1x16xf32>,
          %swap3A_107 = vector.shape_cast %swap3A_106 : vector<1x16xf32> to vector<16xf32>
          %swap3A_108 = vector.shape_cast %add3A_103 : vector<16xf32> to vector<1x16xf32>
          tpu.vector_store %arg8[%swap3A_104, %swap3A_105], %swap3A_108 {strides = array<i32>} : memref<32x1024xf32, #tpu.memory_space<vmem>>, vector<1x16xf32>,
          %add3A_109 = arith.constant 32 : i32
          %add3A_110 = arith.addi %add3A_73, %add3A_109 : i32
          %get3A_111 = arith.index_cast %add3A_50 : i32 to index
          %get3A_112 = arith.index_cast %add3A_110 : i32 to index
          %get3A_113 = tpu.vector_load %arg8[%get3A_111, %get3A_112] {strides = array<i32>} : memref<32x1024xf32, #tpu.memory_space<vmem>>, vector<1x16xf32>,
          %get3A_114 = vector.shape_cast %get3A_113 : vector<1x16xf32> to vector<16xf32>
          %mul3A_115 = arith.mulf %get3A_56, %get3A_114 : vector<16xf32>
          %get3A_116 = arith.index_cast %add3A_50 : i32 to index
          %get3A_117 = arith.index_cast %add3A_110 : i32 to index
          %get3A_118 = tpu.vector_load %arg9[%get3A_116, %get3A_117] {strides = array<i32>} : memref<32x1024xf32, #tpu.memory_space<vmem>>, vector<1x16xf32>,
          %get3A_119 = vector.shape_cast %get3A_118 : vector<1x16xf32> to vector<16xf32>
          %mul3A_120 = arith.mulf %get3A_63, %get3A_119 : vector<16xf32>
          %add3A_121 = arith.addf %mul3A_115, %mul3A_120 : vector<16xf32>
          %swap3A_122 = arith.index_cast %add3A_50 : i32 to index
          %swap3A_123 = arith.index_cast %add3A_110 : i32 to index
          %swap3A_124 = tpu.vector_load %arg8[%swap3A_122, %swap3A_123] {strides = array<i32>} : memref<32x1024xf32, #tpu.memory_space<vmem>>, vector<1x16xf32>,
          %swap3A_125 = vector.shape_cast %swap3A_124 : vector<1x16xf32> to vector<16xf32>
          %swap3A_126 = vector.shape_cast %add3A_121 : vector<16xf32> to vector<1x16xf32>
          tpu.vector_store %arg8[%swap3A_122, %swap3A_123], %swap3A_126 {strides = array<i32>} : memref<32x1024xf32, #tpu.memory_space<vmem>>, vector<1x16xf32>,
          %add3A_127 = arith.constant 48 : i32
          %add3A_128 = arith.addi %add3A_73, %add3A_127 : i32
          %get3A_129 = arith.index_cast %add3A_50 : i32 to index
          %get3A_130 = arith.index_cast %add3A_128 : i32 to index
          %get3A_131 = tpu.vector_load %arg8[%get3A_129, %get3A_130] {strides = array<i32>} : memref<32x1024xf32, #tpu.memory_space<vmem>>, vector<1x16xf32>,
          %get3A_132 = vector.shape_cast %get3A_131 : vector<1x16xf32> to vector<16xf32>
          %mul3A_133 = arith.mulf %get3A_56, %get3A_132 : vector<16xf32>
          %get3A_134 = arith.index_cast %add3A_50 : i32 to index
          %get3A_135 = arith.index_cast %add3A_128 : i32 to index
          %get3A_136 = tpu.vector_load %arg9[%get3A_134, %get3A_135] {strides = array<i32>} : memref<32x1024xf32, #tpu.memory_space<vmem>>, vector<1x16xf32>,
          %get3A_137 = vector.shape_cast %get3A_136 : vector<1x16xf32> to vector<16xf32>
          %mul3A_138 = arith.mulf %get3A_63, %get3A_137 : vector<16xf32>
          %add3A_139 = arith.addf %mul3A_133, %mul3A_138 : vector<16xf32>
          %swap3A_140 = arith.index_cast %add3A_50 : i32 to index
          %swap3A_141 = arith.index_cast %add3A_128 : i32 to index
          %swap3A_142 = tpu.vector_load %arg8[%swap3A_140, %swap3A_141] {strides = array<i32>} : memref<32x1024xf32, #tpu.memory_space<vmem>>, vector<1x16xf32>,
          %swap3A_143 = vector.shape_cast %swap3A_142 : vector<1x16xf32> to vector<16xf32>
          %swap3A_144 = vector.shape_cast %add3A_139 : vector<16xf32> to vector<1x16xf32>
          tpu.vector_store %arg8[%swap3A_140, %swap3A_141], %swap3A_144 {strides = array<i32>} : memref<32x1024xf32, #tpu.memory_space<vmem>>, vector<1x16xf32>,
        }
        %scan3A_68 = arith.constant 16 : i32
      }
      %scan3A_42 = arith.constant 32 : i32
      %mul3A_43 = arith.constant 32 : i32
      %mul3A_44 = arith.muli %add3A_11, %mul3A_43 : i32
      %add3A_45 = arith.addi %mul3A_2, %mul3A_44 : i32
      "tpu.region"() ({
        %run_scoped3A = tpu.sem_alloc : memref<!tpu.dma_semaphore, #tpu.memory_space<semaphore_mem>>
        %dma_start3A_46 = arith.constant 0 : i32
        %dma_start3A_47 = tpu.memref_slice %arg5[%add3A_45, %dma_start3A_46] : memref<2048x1024xf32, #tpu.memory_space<hbm>> -> memref<32x1024xf32, #tpu.memory_space<hbm>>
        %dma_start3A_48 = arith.constant 0 : i32
        %dma_start3A_49 = tpu.memref_slice %arg5[%add3A_45, %dma_start3A_48] : memref<2048x1024xf32, #tpu.memory_space<hbm>> -> memref<32x1024xf32, #tpu.memory_space<hbm>>
        tpu.enqueue_dma source(%arg8 : memref<32x1024xf32, #tpu.memory_space<vmem>>) target(%dma_start3A_49 : memref<32x1024xf32, #tpu.memory_space<hbm>>) target_semaphore(%run_scoped3A : memref<!tpu.dma_semaphore, #tpu.memory_space<semaphore_mem>>)
        %dma_wait3A_50 = arith.constant 0 : i32
        %dma_wait3A_51 = tpu.memref_slice %arg5[%add3A_45, %dma_wait3A_50] : memref<2048x1024xf32, #tpu.memory_space<hbm>> -> memref<32x1024xf32, #tpu.memory_space<hbm>>
        %dma_wait3A_52 = arith.constant 0 : i32
        %dma_wait3A_53 = tpu.memref_slice %arg5[%add3A_45, %dma_wait3A_52] : memref<2048x1024xf32, #tpu.memory_space<hbm>> -> memref<32x1024xf32, #tpu.memory_space<hbm>>
        tpu.wait_dma2 semaphore(%run_scoped3A : memref<!tpu.dma_semaphore, #tpu.memory_space<semaphore_mem>>) src(%arg8 : memref<32x1024xf32, #tpu.memory_space<vmem>>) dst(%dma_wait3A_53 : memref<32x1024xf32, #tpu.memory_space<hbm>>)
        tpu.yield
      }) : () -> ()
    }
    %scan3A_6 = arith.constant 2 : i32
    return
  }
}

module attributes {stable_mosaic.version = 14 : i64} {
  func.func @_ffn_body(%arg0: i32, %arg1: i32, %arg2: memref<24xi32, #tpu.memory_space<smem>>, %arg3: memref<256x1024xf32, #tpu.memory_space<vmem>>, %arg4: memref<1x1024x1024xf32, #tpu.memory_space<vmem>>, %arg5: memref<1x1024x1024xf32, #tpu.memory_space<vmem>>, %arg6: memref<1x1024x1024xf32, #tpu.memory_space<vmem>>, %arg7: memref<256x1024xf32, #tpu.memory_space<vmem>>, %arg8: memref<6144x1024xbf16, #tpu.memory_space<vmem>>, %arg9: memref<6144x1024xbf16, #tpu.memory_space<vmem>>, %arg10: memref<1024x2048xbf16, #tpu.memory_space<vmem>>, %arg11: memref<1024x1024xbf16, #tpu.memory_space<vmem>>) attributes {dimension_semantics = [#tpu.dimension_semantics<arbitrary>, #tpu.dimension_semantics<arbitrary>], iteration_bounds = array<i64: 4, 24>, scalar_prefetch = 1 : i64, scratch_operands = 4 : i64, tpu.core_type = #tpu.core_type<tc>, window_params = [{transform_indices = @transform_0, window_bounds = array<i64: 256, 1024>}, {transform_indices = @transform_1, window_bounds = array<i64: 1, 1024, 1024>}, {transform_indices = @transform_2, window_bounds = array<i64: 1, 1024, 1024>}, {transform_indices = @transform_3, window_bounds = array<i64: 1, 1024, 1024>}, {transform_indices = @transform_4, window_bounds = array<i64: 256, 1024>}]} {
    %mul3A = arith.constant 256 : i32
    %mul3A_0 = arith.muli %arg1, %mul3A : i32
    %sub3A = arith.constant 1 : i32
    %sub3A_1 = arith.subi %arg1, %sub3A : i32
    %max3A = arith.constant 0 : i32
    %max3A_2 = arith.maxsi %sub3A_1, %max3A : i32
    %get3A = arith.index_cast %max3A_2 : i32 to index
    %get3A_3 = memref.load %arg2[%get3A] : memref<24xi32, #tpu.memory_space<smem>>
    %eq3A = arith.constant 0 : i32
    %eq3A_4 = arith.cmpi eq, %arg1, %eq3A : i32
    %get3A_5 = arith.index_cast %arg1 : i32 to index
    %get3A_6 = memref.load %arg2[%get3A_5] : memref<24xi32, #tpu.memory_space<smem>>
    %ne3A = arith.cmpi ne, %get3A_6, %get3A_3 : i32
    %or3A = arith.ori %eq3A_4, %ne3A : i1
    %convert_element_type3A = arith.extui %or3A : i1 to i32
    %cond3A = arith.constant 0 : i32
    %cond3A_7 = arith.cmpi ne, %convert_element_type3A, %cond3A : i32
    scf.if %cond3A_7 {
      %get3A_51 = arith.constant 0 : index
      %get3A_52 = arith.constant 0 : index
      %get3A_53 = arith.constant 0 : index
      %get3A_54 = vector.load %arg4[%get3A_51, %get3A_52, %get3A_53] : memref<1x1024x1024xf32, #tpu.memory_space<vmem>>, vector<1x1024x1024xf32>
      %get3A_55 = vector.shape_cast %get3A_54 : vector<1x1024x1024xf32> to vector<1024x1024xf32>
      %convert_element_type3A_56 = arith.truncf %get3A_55 : vector<1024x1024xf32> to vector<1024x1024xbf16>
      %swap3A = arith.constant 0 : index
      %swap3A_57 = arith.constant 0 : index
      %swap3A_58 = vector.load %arg10[%swap3A, %swap3A_57] : memref<1024x2048xbf16, #tpu.memory_space<vmem>>, vector<1024x1024xbf16>
      tpu.vector_store %arg10[%swap3A, %swap3A_57], %convert_element_type3A_56 {strides = array<i32>} : memref<1024x2048xbf16, #tpu.memory_space<vmem>>, vector<1024x1024xbf16>,
      %get3A_59 = arith.constant 0 : index
      %get3A_60 = arith.constant 0 : index
      %get3A_61 = arith.constant 0 : index
      %get3A_62 = vector.load %arg5[%get3A_59, %get3A_60, %get3A_61] : memref<1x1024x1024xf32, #tpu.memory_space<vmem>>, vector<1x1024x1024xf32>
      %get3A_63 = vector.shape_cast %get3A_62 : vector<1x1024x1024xf32> to vector<1024x1024xf32>
      %convert_element_type3A_64 = arith.truncf %get3A_63 : vector<1024x1024xf32> to vector<1024x1024xbf16>
      %swap3A_65 = arith.constant 0 : index
      %swap3A_66 = arith.constant 1024 : index
      %swap3A_67 = vector.load %arg10[%swap3A_65, %swap3A_66] : memref<1024x2048xbf16, #tpu.memory_space<vmem>>, vector<1024x1024xbf16>
      tpu.vector_store %arg10[%swap3A_65, %swap3A_66], %convert_element_type3A_64 {strides = array<i32>} : memref<1024x2048xbf16, #tpu.memory_space<vmem>>, vector<1024x1024xbf16>,
      %get3A_68 = arith.constant 0 : index
      %get3A_69 = arith.constant 0 : index
      %get3A_70 = arith.constant 0 : index
      %get3A_71 = vector.load %arg6[%get3A_68, %get3A_69, %get3A_70] : memref<1x1024x1024xf32, #tpu.memory_space<vmem>>, vector<1x1024x1024xf32>
      %get3A_72 = vector.shape_cast %get3A_71 : vector<1x1024x1024xf32> to vector<1024x1024xf32>
      %convert_element_type3A_73 = arith.truncf %get3A_72 : vector<1024x1024xf32> to vector<1024x1024xbf16>
      %swap3A_74 = arith.constant 0 : index
      %swap3A_75 = arith.constant 0 : index
      %swap3A_76 = vector.load %arg11[%swap3A_74, %swap3A_75] : memref<1024x1024xbf16, #tpu.memory_space<vmem>>, vector<1024x1024xbf16>
      tpu.vector_store %arg11[%swap3A_74, %swap3A_75], %convert_element_type3A_73 {strides = array<i32>} : memref<1024x1024xbf16, #tpu.memory_space<vmem>>, vector<1024x1024xbf16>,
    } else {
    }
    %eq3A_8 = arith.constant 0 : i32
    %eq3A_9 = arith.cmpi eq, %arg0, %eq3A_8 : i32
    %convert_element_type3A_10 = arith.extui %eq3A_9 : i1 to i32
    %cond3A_11 = arith.constant 0 : i32
    %cond3A_12 = arith.cmpi ne, %convert_element_type3A_10, %cond3A_11 : i32
    scf.if %cond3A_12 {
      %get3A_51 = arith.constant 0 : index
      %get3A_52 = arith.constant 0 : index
      %get3A_53 = vector.load %arg3[%get3A_51, %get3A_52] : memref<256x1024xf32, #tpu.memory_space<vmem>>, vector<256x1024xf32>
      %convert_element_type3A_54 = arith.truncf %get3A_53 : vector<256x1024xf32> to vector<256x1024xbf16>
      %swap3A = arith.index_cast %mul3A_0 : i32 to index
      %swap3A_55 = arith.constant 0 : index
      %swap3A_56 = vector.load %arg9[%swap3A, %swap3A_55] : memref<6144x1024xbf16, #tpu.memory_space<vmem>>, vector<256x1024xbf16>
      tpu.vector_store %arg9[%swap3A, %swap3A_55], %convert_element_type3A_54 {strides = array<i32>} : memref<6144x1024xbf16, #tpu.memory_space<vmem>>, vector<256x1024xbf16>,
    } else {
    }
    %get3A_13 = arith.index_cast %mul3A_0 : i32 to index
    %get3A_14 = arith.constant 0 : index
    %get3A_15 = vector.load %arg9[%get3A_13, %get3A_14] : memref<6144x1024xbf16, #tpu.memory_space<vmem>>, vector<256x1024xbf16>
    %get3A_16 = arith.constant 0 : index
    %get3A_17 = arith.constant 0 : index
    %get3A_18 = vector.load %arg10[%get3A_16, %get3A_17] : memref<1024x2048xbf16, #tpu.memory_space<vmem>>, vector<1024x2048xbf16>
    %dot_general3A = arith.constant dense<0.000000e+00> : vector<256x2048xf32>
    %dot_general3A_19 = tpu.matmul %get3A_15, %get3A_18, %dot_general3A {dimension_numbers = #tpu.dot_dimension_numbers<[1], [0], [0], [1], [0, 0, 1, 1], [], []>, transpose_lhs_hint = false} : vector<256x1024xbf16>, vector<1024x2048xbf16>, vector<256x2048xf32> -> vector<256x2048xf32>
    %slice3A = vector.extract_strided_slice %dot_general3A_19 {offsets = [0, 0], sizes = [256, 1024], strides = [1, 1]} : vector<256x2048xf32> to vector<256x1024xf32>
    %slice3A_20 = vector.extract_strided_slice %dot_general3A_19 {offsets = [0, 1024], sizes = [256, 1024], strides = [1, 1]} : vector<256x2048xf32> to vector<256x1024xf32>
    %logistic3A = arith.negf %slice3A : vector<256x1024xf32>
    %logistic3A_21 = math.exp %logistic3A : vector<256x1024xf32>
    %logistic3A_22 = arith.constant 1.000000e+00 : f32
    %logistic3A_23 = vector.broadcast %logistic3A_22 : f32 to vector<256x1024xf32>
    %logistic3A_24 = arith.addf %logistic3A_23, %logistic3A_21 : vector<256x1024xf32>
    %logistic3A_25 = arith.divf %logistic3A_23, %logistic3A_24 : vector<256x1024xf32>
    %mul3A_26 = arith.mulf %slice3A, %logistic3A_25 : vector<256x1024xf32>
    %mul3A_27 = arith.mulf %mul3A_26, %slice3A_20 : vector<256x1024xf32>
    %convert_element_type3A_28 = arith.truncf %mul3A_27 : vector<256x1024xf32> to vector<256x1024xbf16>
    %get3A_29 = arith.constant 0 : index
    %get3A_30 = arith.constant 0 : index
    %get3A_31 = vector.load %arg11[%get3A_29, %get3A_30] : memref<1024x1024xbf16, #tpu.memory_space<vmem>>, vector<1024x1024xbf16>
    %dot_general3A_32 = arith.constant dense<0.000000e+00> : vector<256x1024xf32>
    %dot_general3A_33 = tpu.matmul %convert_element_type3A_28, %get3A_31, %dot_general3A_32 {dimension_numbers = #tpu.dot_dimension_numbers<[1], [0], [0], [1], [0, 0, 1, 1], [], []>, transpose_lhs_hint = false} : vector<256x1024xbf16>, vector<1024x1024xbf16>, vector<256x1024xf32> -> vector<256x1024xf32>
    %eq3A_34 = arith.constant 0 : i32
    %eq3A_35 = arith.cmpi eq, %arg0, %eq3A_34 : i32
    %convert_element_type3A_36 = arith.extui %eq3A_35 : i1 to i32
    %cond3A_37 = arith.constant 0 : i32
    %cond3A_38 = arith.cmpi ne, %convert_element_type3A_36, %cond3A_37 : i32
    scf.if %cond3A_38 {
      %convert_element_type3A_51 = arith.truncf %dot_general3A_33 : vector<256x1024xf32> to vector<256x1024xbf16>
      %swap3A = arith.index_cast %mul3A_0 : i32 to index
      %swap3A_52 = arith.constant 0 : index
      %swap3A_53 = vector.load %arg8[%swap3A, %swap3A_52] : memref<6144x1024xbf16, #tpu.memory_space<vmem>>, vector<256x1024xbf16>
      tpu.vector_store %arg8[%swap3A, %swap3A_52], %convert_element_type3A_51 {strides = array<i32>} : memref<6144x1024xbf16, #tpu.memory_space<vmem>>, vector<256x1024xbf16>,
    } else {
    }
    %ne3A_39 = arith.constant 0 : i32
    %ne3A_40 = arith.cmpi ne, %arg0, %ne3A_39 : i32
    %ne3A_41 = arith.constant 3 : i32
    %ne3A_42 = arith.cmpi ne, %arg0, %ne3A_41 : i32
    %and3A = arith.andi %ne3A_40, %ne3A_42 : i1
    %convert_element_type3A_43 = arith.extui %and3A : i1 to i32
    %cond3A_44 = arith.constant 0 : i32
    %cond3A_45 = arith.cmpi ne, %convert_element_type3A_43, %cond3A_44 : i32
    scf.if %cond3A_45 {
      %get3A_51 = arith.index_cast %mul3A_0 : i32 to index
      %get3A_52 = arith.constant 0 : index
      %get3A_53 = vector.load %arg8[%get3A_51, %get3A_52] : memref<6144x1024xbf16, #tpu.memory_space<vmem>>, vector<256x1024xbf16>
      %convert_element_type3A_54 = arith.truncf %dot_general3A_33 : vector<256x1024xf32> to vector<256x1024xbf16>
      %add3A = arith.addf %get3A_53, %convert_element_type3A_54 : vector<256x1024xbf16>
      %swap3A = arith.index_cast %mul3A_0 : i32 to index
      %swap3A_55 = arith.constant 0 : index
      %swap3A_56 = vector.load %arg8[%swap3A, %swap3A_55] : memref<6144x1024xbf16, #tpu.memory_space<vmem>>, vector<256x1024xbf16>
      tpu.vector_store %arg8[%swap3A, %swap3A_55], %add3A {strides = array<i32>} : memref<6144x1024xbf16, #tpu.memory_space<vmem>>, vector<256x1024xbf16>,
    } else {
    }
    %eq3A_46 = arith.constant 3 : i32
    %eq3A_47 = arith.cmpi eq, %arg0, %eq3A_46 : i32
    %convert_element_type3A_48 = arith.extui %eq3A_47 : i1 to i32
    %cond3A_49 = arith.constant 0 : i32
    %cond3A_50 = arith.cmpi ne, %convert_element_type3A_48, %cond3A_49 : i32
    scf.if %cond3A_50 {
      %get3A_51 = arith.index_cast %mul3A_0 : i32 to index
      %get3A_52 = arith.constant 0 : index
      %get3A_53 = vector.load %arg8[%get3A_51, %get3A_52] : memref<6144x1024xbf16, #tpu.memory_space<vmem>>, vector<256x1024xbf16>
      %convert_element_type3A_54 = arith.extf %get3A_53 : vector<256x1024xbf16> to vector<256x1024xf32>
      %add3A = arith.addf %convert_element_type3A_54, %dot_general3A_33 : vector<256x1024xf32>
      %swap3A = arith.constant 0 : index
      %swap3A_55 = arith.constant 0 : index
      %swap3A_56 = vector.load %arg7[%swap3A, %swap3A_55] : memref<256x1024xf32, #tpu.memory_space<vmem>>, vector<256x1024xf32>
      tpu.vector_store %arg7[%swap3A, %swap3A_55], %add3A {strides = array<i32>} : memref<256x1024xf32, #tpu.memory_space<vmem>>, vector<256x1024xf32>,
    } else {
    }
    return
  }
  func.func @transform_0(%arg0: i32, %arg1: i32, %arg2: memref<24xi32, #tpu.memory_space<smem>>) -> (i32, i32) {
    %eq3A = arith.constant 0 : i32
    %eq3A_0 = arith.cmpi eq, %arg0, %eq3A : i32
    %jit3A = arith.constant 0 : i32
    %select_n3A = arith.select %eq3A_0, %arg1, %jit3A : i32
    %c0_i32 = arith.constant 0 : i32
    %c0_i32_1 = arith.constant 0 : i32
    return %select_n3A, %c0_i32 : i32, i32
  }
  func.func @transform_1(%arg0: i32, %arg1: i32, %arg2: memref<24xi32, #tpu.memory_space<smem>>) -> (i32, i32, i32) {
    %get3A = arith.index_cast %arg1 : i32 to index
    %get3A_0 = memref.load %arg2[%get3A] : memref<24xi32, #tpu.memory_space<smem>>
    %c0_i32 = arith.constant 0 : i32
    %c0_i32_1 = arith.constant 0 : i32
    return %get3A_0, %c0_i32, %arg0 : i32, i32, i32
  }
  func.func @transform_2(%arg0: i32, %arg1: i32, %arg2: memref<24xi32, #tpu.memory_space<smem>>) -> (i32, i32, i32) {
    %get3A = arith.index_cast %arg1 : i32 to index
    %get3A_0 = memref.load %arg2[%get3A] : memref<24xi32, #tpu.memory_space<smem>>
    %c0_i32 = arith.constant 0 : i32
    %c0_i32_1 = arith.constant 0 : i32
    return %get3A_0, %c0_i32, %arg0 : i32, i32, i32
  }
  func.func @transform_3(%arg0: i32, %arg1: i32, %arg2: memref<24xi32, #tpu.memory_space<smem>>) -> (i32, i32, i32) {
    %get3A = arith.index_cast %arg1 : i32 to index
    %get3A_0 = memref.load %arg2[%get3A] : memref<24xi32, #tpu.memory_space<smem>>
    %c0_i32 = arith.constant 0 : i32
    %c0_i32_1 = arith.constant 0 : i32
    return %get3A_0, %arg0, %c0_i32 : i32, i32, i32
  }
  func.func @transform_4(%arg0: i32, %arg1: i32, %arg2: memref<24xi32, #tpu.memory_space<smem>>) -> (i32, i32) {
    %eq3A = arith.constant 3 : i32
    %eq3A_0 = arith.cmpi eq, %arg0, %eq3A : i32
    %jit3A = arith.constant 0 : i32
    %select_n3A = arith.select %eq3A_0, %arg1, %jit3A : i32
    %c0_i32 = arith.constant 0 : i32
    %c0_i32_1 = arith.constant 0 : i32
    return %select_n3A, %c0_i32 : i32, i32
  }
}

</mosaic_0001>

<sc_bundles>
// kernel: kernel.5.cloned.1.call-start
scs
__scs_entry_jumppad:
0x0: {  	(pc) =	sbr.rel $0x88, $3  }
0x1: {  	(tag) =	ssettag $0x0;
	lr =	simm.s32 $0x1  }
0x2: {  	[smem:$0x3F9B] =	sst lr;
	_ =	strace $0xD0000000  }
0x3: {  	_ = 	snop  }
0x4: {  	_ = 	snop  }
0x5: {  	_ = 	snop  }
0x6: {  	_ = 	snop  }
0x7: {  	_ = 	snop  }
__scs_overlays_trampoline_lowered:
0x8: {  	[smem:$0x3FAA] =	sst s0  }
0x9: {  	[smem:$0x3FAB] =	sst s1  }
0xa: {  	[smem:$0x3FAC] =	sst s2  }
0xb: {  	[smem:$0x3FAD] =	sst s3  }
0xc: {  	[smem:$0x3FAE] =	sst s4  }
0xd: {  	[smem:$0x3FAF] =	sst s5  }
0xe: {  	[smem:$0x3FB0] =	sst s6  }
0xf: {  	[smem:$0x3FB1] =	sst s7  }
0x10: {  	[smem:$0x3FB2] =	sst s8  }
0x11: {  	[smem:$0x3FB3] =	sst s9;
	s0 =	simm.s32 @!p0 $0x0  }
0x12: {  	s1 =	sld [smem:$0x3F99];
	s0 =	simm.s32 @p0 $0x1  }
0x13: {  	[smem:$0x3FB4] =	sst s0;
	s0 =	simm.s32 @!p1 $0x0  }
0x14: {  	s2 =	sld [smem:$0x3F98];
	s0 =	simm.s32 @p1 $0x1  }
0x15: {  	[smem:$0x3FB5] =	sst s0;
	s0 =	simm.s32 @!p2 $0x0  }
0x16: {  	s3 =	sld [smem:$0x3FDB];
	s0 =	simm.s32 @p2 $0x1  }
0x17: {  	s4 =	simm.s32 $0x1BF5;
	[smem:$0x3FB7] =	sst s0  }
0x18: {  	s0 =	sld [smem:$0x3F9A];
	_ =	swait.ge [sflag:s4], $0x0  }
0x19: {  	s7 =	sld [smem:$0x3F9B]  }
0x1a: {  	s8 =	sadd.s32 $0xFFFFE003, lr  }
0x1b: {  	s9 =	sadd.s32 $0xFFFFFEF7, lr;
	s5 =	simm.s32 $0xFFFFFFFF;
	p2 =	slt.u32 s8, $0xFFFFF086  }
0x1c: {  	p1 =	slt.u32 s9, $0xF7A;
	s5 =	simm.s32 @!p2 $0x0  }
0x1d: {  	s5 =	simm.s32 @p1 $0x1;
	p0 =	seq.s32 s7, s2  }
0x1e: {  	s7 =	smul.u32 @!p0 $0xF7A, s2;
	p2 =	seq.s32 @!p0 s5, $0x0  }
0x1f: {  	s9 =	smul.u32 $0xF7A, s1;
	s8 =	simm.s32 @!p0 $0x1BF5;
	p2 =	por !p2, p0  }
0x20: {  	[sflag:s8] =	ssyncset.s32 @!p0 $0xFFFFF086;
	s6 =	sadd.s32 @!p0 s3, s7;
	s7 =	simm.s32 @!p0 $0x108  }
0x21: {  	s3 =	sadd.s32 s3, s9;
	s6 =	sadd.s32 @!p0 $0x88, s6;
	s7 =	simm.s32 @p2 $0x1082  }
0x22: {  	[simem:s7], [sflag:s8] =	dma.local @!p0 [hbm:s6], $0xF7A  }
0x23: {  	s9 =	sor.u32 $0xD0000000, s2;
	s6 =	simm.s32 $0x108;
	_ =	swait.ge @!p0 [sflag:s8], $0x0  }
0x24: {  	s3 =	sadd.s32 $0x88, s3;
	s6 =	simm.s32 @!p1 $0x1082;
	[sflag:s4] =	ssyncset.s32 $0xFFFFF086  }
0x25: {  	[simem:s6], [sflag:s4] =	dma.local [hbm:s3], $0xF7A  }
0x26: {  	[smem:$0x3F9B] =	sst s1;
	(tag) =	ssettag s2;
	_ =	strace s9  }
0x27: {  	s1 =	sld [smem:$0x3FAB]  }
0x28: {  	s2 =	sld [smem:$0x3FAC]  }
0x29: {  	s4 =	sld [smem:$0x3FAE]  }
0x2a: {  	p0 =	seq.s32 s5, $0x0;
	s5 =	sld [smem:$0x3FAF]  }
0x2b: {  	s6 =	sld [smem:$0x3FB0]  }
0x2c: {  	s7 =	sld [smem:$0x3FB1]  }
0x2d: {  	s3 =	simm.s32 $0x108;
	s8 =	sld [smem:$0x3FB2]  }
0x2e: {  	s3 =	simm.s32 @!p0 $0x1082;
	s9 =	sld [smem:$0x3FB3]  }
0x2f: {  	lr =	sadd.s32 s0, s3;
	s0 =	sld [smem:$0x3FAA]  }
0x30: {  	s3 =	sld [smem:$0x3FAD]  }
0x31: {  	[smem:$0x3FB6] =	sst s10  }
0x32: {  	s10 =	sld [smem:$0x3FB4];
	_ =	sdelay $0x3  }
0x33: {  	p0 =	seq.s32 s10, $0x1;
	s10 =	sld [smem:$0x3FB6];
	_ =	sdelay $0x3  }
0x34: {  	[smem:$0x3FB6] =	sst s10  }
0x35: {  	s10 =	sld [smem:$0x3FB5];
	_ =	sdelay $0x3  }
0x36: {  	p1 =	seq.s32 s10, $0x1;
	s10 =	sld [smem:$0x3FB6];
	_ =	sdelay $0x3  }
0x37: {  	[smem:$0x3FB6] =	sst s10  }
0x38: {  	s10 =	sld [smem:$0x3FB7]  }
0x39: {  	_ = 	snop;
	(pc) =	sbr.ind lr, $3  }
0x3a: {  	_ = 	snop  }
0x3b: {  	_ = 	snop  }
0x3c: {  	p2 =	seq.s32 s10, $0x1;
	s10 =	sld [smem:$0x3FB6]  }
0x3d: {  	_ =	shalt  }
0x3e: {  	_ =	shalt  }
0x3f: {  	_ =	shalt  }
0x40: {  	_ =	shalt  }
0x41: {  	_ =	shalt  }
0x42: {  	_ =	shalt  }
0x43: {  	_ =	shalt  }
0x44: {  	_ =	shalt  }
0x45: {  	_ =	shalt  }
0x46: {  	_ =	shalt  }
0x47: {  	_ =	shalt  }
0x48: {  	_ =	shalt  }
0x49: {  	_ =	shalt  }
0x4a: {  	_ =	shalt  }
0x4b: {  	_ =	shalt  }
0x4c: {  	_ =	shalt  }
0x4d: {  	_ =	shalt  }
0x4e: {  	_ =	shalt  }
0x4f: {  	_ =	shalt  }
0x50: {  	_ =	shalt  }
0x51: {  	_ =	shalt  }
0x52: {  	_ =	shalt  }
0x53: {  	_ =	shalt  }
0x54: {  	_ =	shalt  }
0x55: {  	_ =	shalt  }
0x56: {  	_ =	shalt  }
0x57: {  	_ =	shalt  }
0x58: {  	_ =	shalt  }
0x59: {  	_ =	shalt  }
0x5a: {  	_ =	shalt  }
0x5b: {  	_ =	shalt  }
0x5c: {  	_ =	shalt  }
0x5d: {  	_ =	shalt  }
0x5e: {  	_ =	shalt  }
0x5f: {  	_ =	shalt  }
0x60: {  	_ =	shalt  }
0x61: {  	_ =	shalt  }
0x62: {  	_ =	shalt  }
0x63: {  	_ =	shalt  }
0x64: {  	_ =	shalt  }
0x65: {  	_ =	shalt  }
0x66: {  	_ =	shalt  }
0x67: {  	_ =	shalt  }
0x68: {  	_ =	shalt  }
0x69: {  	_ =	shalt  }
0x6a: {  	_ =	shalt  }
0x6b: {  	_ =	shalt  }
0x6c: {  	_ =	shalt  }
0x6d: {  	_ =	shalt  }
0x6e: {  	_ =	shalt  }
0x6f: {  	_ =	shalt  }
0x70: {  	_ =	shalt  }
0x71: {  	_ =	shalt  }
0x72: {  	_ =	shalt  }
0x73: {  	_ =	shalt  }
0x74: {  	_ =	shalt  }
0x75: {  	_ =	shalt  }
0x76: {  	_ =	shalt  }
0x77: {  	_ =	shalt  }
0x78: {  	_ =	shalt  }
0x79: {  	_ =	shalt  }
0x7a: {  	_ =	shalt  }
0x7b: {  	_ =	shalt  }
0x7c: {  	_ =	shalt  }
0x7d: {  	_ =	shalt  }
0x7e: {  	_ =	shalt  }
0x7f: {  	_ =	shalt  }
0x80: {  	_ =	shalt  }
0x81: {  	_ =	shalt  }
0x82: {  	_ =	shalt  }
0x83: {  	_ =	shalt  }
0x84: {  	_ =	shalt  }
0x85: {  	_ =	shalt  }
0x86: {  	_ =	shalt  }
0x87: {  	_ =	shalt  }
.Lfunc_end0:
.L_simem_size_0:
called_computation_lowered:
.L_overlay_start_0:
0x88: {  	s2 =	sld [smem:$0x3FD9]  }
0x89: {  	s3 =	sld [smem:$0x3FFE];
	_ =	sdelay $0x1  }
0x8a: {  	s1 =	srdreg.scid  }
0x8b: {  	s0 =	sand.u32 $0x1, s1  }
0x8c: {  	s17 =	sshll.u32 s0, $0xA;
	s2 =	sadd.s32 s3, s2  }
0x8d: {  	s2 =	sadd.s32 s2, s17  }
0x8e: {  	[smem:$0x3FC2] =	sst s2  }
0x8f: {  	_ = 	snop  }
0x90: {  	s2 =	sld [smem:$0x3FC9];
	(tm) =	ssettm $0x1  }
0x91: {  	s18 =	sld [smem:$0x3FFB];
	_ =	sdelay $0x3  }
0x92: {  	_ =	strace s18  }
0x93: {  	s3 =	sld [smem:$0x3FFC];
	_ =	sdelay $0x3  }
0x94: {  	_ =	strace s3  }
0x95: {  	s3 =	sld [smem:$0x3FFD];
	_ =	sdelay $0x3  }
0x96: {  	_ =	strace s3  }
0x97: {  	_ =	strace $0x8FFFFFFF  }
0x98: {  	s19 =	sld [smem:$0x3FDB];
	_ =	sdelay $0x1  }
0x99: {  	s4 =	simm.s32 $_scs_section_size  }
0x9a: {  	s5 =	simm.s32 $_size__tile_overlayer_lowered;
	s6 =	simm.s32 $_tile_overlayer_lowered  }
0x9b: {  	s22 =	simm.s32 $0x1BFF;
	s21 =	sshll.u32 s6, $0x1;
	s3 =	sadd.s32 s4, s19  }
0x9c: {  	s7 =	simm.s32 $0x0;
	s20 =	sshll.u32 s5, $0x1;
	s5 =	sadd.s32 s21, s3  }
0x9d: {  	[timem:s7], [sflag:s22] =	dma.local [hbm:s5], s20  }
0x9e: {  	_ =	swait.ge [sflag:s22], s20  }
0x9f: {  	s4 =	ssub.s32 $0x0, s20;
	[sflag:s22] =	ssyncset.done $0x0  }
0xa0: {  	[sflag:s22] =	ssyncadd.s32 s4;
	_ =	sdelay $0x1  }
0xa1: {  	s23 =	simm.s32 $0x1B8B  }
0xa2: {  	_ =	swait.ge [sflag:s23], $0x1  }
0xa3: {  	[sflag:s23] =	ssyncset.done $0x0  }
0xa4: {  	s25 =	simm.s32 $0x1B8E;
	s24 =	sld [smem:$0x3FFE];
	[sflag:s23] =	ssyncadd.s32 $0xFFFFFFFF  }
0xa5: {  	s26 =	simm.s32 $execute0_lowered;
	[smem:$0x3FD2] =	sst s25  }
0xa6: {  	s5 =	sshll.u32 s26, $0x1;
	_ =	strace $0x80000046;
	[dreg:$0x1] =	wrdreg $0xFFFFFFFF  }
0xa7: {  	s28 =	simm.s32 $_size_execute0_lowered;
	s3 =	sadd.s32 s3, s5;
	[dreg:$0x0] =	wrdreg $0x0  }
0xa8: {  	s5 =	sshll.u32 s28, $0x1;
	[dreg:$0x2] =	wrdreg s3  }
0xa9: {  	[dreg:$0x3] =	wrdreg s5  }
0xaa: {  	[dreg:$0x4] =	wrdreg $0xC0  }
0xab: {  	_ =	task [dreg:s7], $0x5FFFF  }
0xac: {  	[dreg:$0x1] =	wrdreg $0xFFFFFFFF  }
0xad: {  	[dreg:$0x0] =	wrdreg $0x60  }
0xae: {  	[dreg:$0x2] =	wrdreg s2  }
0xaf: {  	[dreg:$0x3] =	wrdreg s24  }
0xb0: {  	[dreg:$0x4] =	wrdreg $0x9  }
0xb1: {  	_ =	task.clear_ibuf [dreg:s7], $0x5FFFF;
	_ =	strace $0x90000046  }
0xb2: {  	s29 =	simm.s32 $0x9;
	_ =	strace $0x80000048  }
0xb3: {  	_ =	swait.ge [sflag:s29], $0x1  }
0xb4: {  	[sflag:s29] =	ssyncadd.s32 $0xFFFFFFFF  }
0xb5: {  	_ =	strace $0x90000048  }
0xb6: {  	_ =	sfence  }
0xb7: {  	s30 =	sld [smem:$0x0];
	_ =	sdelay $0x2  }
0xb8: {  	s31 =	sshll.u32 s1, $0xD;
	s1 =	sshrl.u32 s1, $0x2  }
0xb9: {  	s3 =	sand.u32 $0x4000, s31;
	s1 =	sadd.s32 s1, s30  }
0xba: {  	s0 =	sor.u32 s3, s0;
	s1 =	sshll.u32 s1, $0x11  }
0xbb: {  	s0 =	sor.u32 s1, s0  }
0xbc: {  	s0 =	sadd.s32 $0x8F2B, s0  }
0xbd: {  	[sflag:s0] =	ssyncadd.remote.s32 $0x1  }
0xbe: {  	_ =	sfence.sel $0xFFFF  }
0xbf: {  	[dreg:$0x0] =	wrdreg $0xFFFFFFFF;
	(pc) =	sbr.abs _section_cstart, $3  }
0xc0: {  	[dreg:$0x1] =	wrdreg $0xFFFFFFFF  }
0xc1: {  	_ =	task.clear_ibuf [dreg:s7], $0x2FFFF;
	_ =	strace $0x9FFFFFFF  }
0xc2: {  	(tm) =	ssettm $0x7FFFFFFF  }
0xc3: {  	_ =	shalt  }
tec
execute0_lowered:
.L_overlay_start_1:
0x0: {  	(tag) =	ssettag $0x1  }
0x1: {  	s0 =	rddreg [dreg:$0x0]  }
0x2: {  	s1 =	rddreg [dreg:$0x1];
	s2 =	simm.s32 $0x0  }
0x3: {  	s3 =	srdreg.scid;
	s5 =	stileid.u32;
	s18 =	simm.s32 $0x1  }
0x4: {  	s20 =	simm.s32 $0x1100;
	s21 =	simm.s32 $0x1900;
	s22 =	simm.s32 $0x2100  }
0x5: {  	s23 =	simm.s32 $0x2900;
	s24 =	simm.s32 $0x3100;
	s25 =	simm.s32 $0x3900  }
0x6: {  	s28 =	simm.s32 $0x4900;
	s29 =	simm.s32 $0x5100;
	s30 =	simm.s32 $0x5900  }
0x7: {  	s31 =	simm.s32 $0x6100;
	s10 =	simm.s32 $0x7900;
	s11 =	simm.s32 $0x8100  }
0x8: {  	s12 =	simm.s32 $0x8900;
	s13 =	simm.s32 $0x9100;
	s14 =	simm.s32 $0x9900  }
0x9: {  	s15 =	simm.s32 $0xA100;
	s16 =	simm.s32 $0xA900;
	s17 =	simm.s32 $0xB100  }
0xa: {  	s9 =	simm.s32 $0xB900;
	[smem:$0x7FF] =	sst s2;
	s4 =	sand.u32 $0x1, s3  }
0xb: {  	s26 =	sshll.u32 s5, $0x1;
	s3 =	sadd.s32 $0x400, s1;
	_ =	strace $0x80000047  }
0xc: {  	s5 =	sor.u32 s4, s26;
	s4 =	ssub.s32 $0x2, s4;
	s26 =	simm.s32 $0x4100  }
0xd: {  	s6 =	sshll.u32 s5, $0x5;
	s7 =	sshrl.u32 s4, $0x1;
	s5 =	sshll.u32 s5, $0xD  }
0xe: {  	v2 =	vlaneseq.u32;
	s6 =	sadd.s32 s1, s6;
	s7 =	ssub.s32 s4, s7;
	s0 =	sadd.s32 s0, s5  }
0xf: {  	vm0 =	vmmov $0xffff;
	v1 =	vshrl.u32 v2, $0x3;
	s4 =	sadd.s32 $0x500, s1;
	s5 =	sadd.s32 $0x600, s1;
	[dreg:$0x3] =	wrdreg s6  }
0x10: {  	v0 =	vand.u32 $0x7, v2;
	v2 =	vor.u32 $0x8, v2;
	v1 =	vmul.u32 $0x8, v1;
	[dreg:$0x4] =	wrdreg s0;
	s6 =	sadd.s32 $0x700, s1;
	s7 =	smax.u32 s7, $0x1  }
.LBB2_1:
0x11: {  	s19 =	rddreg [dreg:$0x3];
	s0 =	simm.s32 $0x2  }
0x12: {  	[tilespmem:s2], [sflag:$0x2] =	stream.linear.gather [hbm4b:s19+s2], $0x100, $0x38;
	[tilespmem:$0x10100] =	vst v63  }
0x13: {  	_ =	swait.ge [sflag:s0], $0x100  }
0x14: {  	[sflag:s0] =	ssyncset.done $0x0  }
0x15: {  	s8 =	simm.s32 $0x100;
	s1 =	rddreg [dreg:$0x4];
	[sflag:s0] =	ssyncadd.s32 $0xFFFFFF00  }
0x16: {  	[tilespmem:s8], [sflag:$0x2] =	stream.linear.gather [hbm4b:s1+s2], $0x10000, $0x38;
	[tilespmem:$0x10100] =	vst v63  }
0x17: {  	_ =	swait.ge [sflag:s0], $0x10000  }
0x18: {  	[sflag:s0] =	ssyncset.done $0x0  }
0x19: {  	[sflag:s0] =	ssyncadd.s32 $0xFFFF0000  }
0x1a: {  	v3 =	vld [tilespmem:$0x0];
	_ =	sdelay $0x4  }
0x1b: {  	v4 =	vshll.u32 v3, $0x3  }
0x1c: {  	v3 =	vand.u32 $0x7, v3;
	v4 =	vand.u32 $0xFFFFFFC0, v4  }
0x1d: {  	v3 =	vor.u32 v3, v4  }
0x1e: {  	v4 =	vperm.xlane v3, v0;
	_ =	sdelay $0x1  }
0x1f: {  	v4 =	vadd.s32 v1, v4;
	_ =	sdelay $0x4  }
0x20: {  	[hbm4b:s3+s2] =	stream.indirect_vreg.scatter [tilespmem:s8], [sflag:$0x1], $0x80, v4, vm0, $0xb8;
	[tilespmem:$0x10100] =	vst v63  }
0x21: {  	s19 =	simm.s32 $0x900;
	v3 =	vperm.xlane v3, v2  }
0x22: {  	[hbm4b:s4+s2] =	stream.indirect_vreg.scatter [tilespmem:s19], [sflag:$0x1], $0x80, v4, vm0, $0xb8;
	[tilespmem:$0x10100] =	vst v63  }
0x23: {  	v3 =	vadd.s32 v1, v3  }
0x24: {  	[hbm4b:s5+s2] =	stream.indirect_vreg.scatter [tilespmem:s20], [sflag:$0x1], $0x80, v4, vm0, $0xb8;
	[tilespmem:$0x10100] =	vst v63  }
0x25: {  	_ = 	snop  }
0x26: {  	[hbm4b:s6+s2] =	stream.indirect_vreg.scatter [tilespmem:s21], [sflag:$0x1], $0x80, v4, vm0, $0xb8;
	[tilespmem:$0x10100] =	vst v63  }
0x27: {  	_ = 	snop  }
0x28: {  	[hbm4b:s3+s2] =	stream.indirect_vreg.scatter [tilespmem:s22], [sflag:$0x1], $0x80, v3, vm0, $0xb8;
	[tilespmem:$0x10100] =	vst v63  }
0x29: {  	_ = 	snop  }
0x2a: {  	[hbm4b:s4+s2] =	stream.indirect_vreg.scatter [tilespmem:s23], [sflag:$0x1], $0x80, v3, vm0, $0xb8;
	[tilespmem:$0x10100] =	vst v63  }
0x2b: {  	_ = 	snop  }
0x2c: {  	[hbm4b:s5+s2] =	stream.indirect_vreg.scatter [tilespmem:s24], [sflag:$0x1], $0x80, v3, vm0, $0xb8;
	[tilespmem:$0x10100] =	vst v63  }
0x2d: {  	_ = 	snop  }
0x2e: {  	[hbm4b:s6+s2] =	stream.indirect_vreg.scatter [tilespmem:s25], [sflag:$0x1], $0x80, v3, vm0, $0xb8;
	[tilespmem:$0x10100] =	vst v63  }
0x2f: {  	v3 =	vld [tilespmem:$0x10];
	_ =	sdelay $0x4  }
0x30: {  	v57 =	vshll.u32 v3, $0x3  }
0x31: {  	v3 =	vand.u32 $0x7, v3;
	v4 =	vand.u32 $0xFFFFFFC0, v57  }
0x32: {  	v3 =	vor.u32 v3, v4  }
0x33: {  	v4 =	vperm.xlane v3, v0;
	_ =	sdelay $0x1  }
0x34: {  	v4 =	vadd.s32 v1, v4;
	_ =	sdelay $0x4  }
0x35: {  	[hbm4b:s3+s2] =	stream.indirect_vreg.scatter [tilespmem:s26], [sflag:$0x1], $0x80, v4, vm0, $0xb8;
	[tilespmem:$0x10100] =	vst v63  }
0x36: {  	v3 =	vperm.xlane v3, v2  }
0x37: {  	[hbm4b:s4+s2] =	stream.indirect_vreg.scatter [tilespmem:s28], [sflag:$0x1], $0x80, v4, vm0, $0xb8;
	[tilespmem:$0x10100] =	vst v63  }
0x38: {  	v3 =	vadd.s32 v1, v3  }
0x39: {  	[hbm4b:s5+s2] =	stream.indirect_vreg.scatter [tilespmem:s29], [sflag:$0x1], $0x80, v4, vm0, $0xb8;
	[tilespmem:$0x10100] =	vst v63  }
0x3a: {  	_ = 	snop  }
0x3b: {  	[hbm4b:s6+s2] =	stream.indirect_vreg.scatter [tilespmem:s30], [sflag:$0x1], $0x80, v4, vm0, $0xb8;
	[tilespmem:$0x10100] =	vst v63  }
0x3c: {  	_ = 	snop  }
0x3d: {  	[hbm4b:s3+s2] =	stream.indirect_vreg.scatter [tilespmem:s31], [sflag:$0x1], $0x80, v3, vm0, $0xb8;
	[tilespmem:$0x10100] =	vst v63  }
0x3e: {  	s1 =	simm.s32 $0x6900  }
0x3f: {  	[hbm4b:s4+s2] =	stream.indirect_vreg.scatter [tilespmem:s1], [sflag:$0x1], $0x80, v3, vm0, $0xb8;
	[tilespmem:$0x10100] =	vst v63  }
0x40: {  	s1 =	simm.s32 $0x7100  }
0x41: {  	[hbm4b:s5+s2] =	stream.indirect_vreg.scatter [tilespmem:s1], [sflag:$0x1], $0x80, v3, vm0, $0xb8;
	[tilespmem:$0x10100] =	vst v63  }
0x42: {  	_ = 	snop  }
0x43: {  	[hbm4b:s6+s2] =	stream.indirect_vreg.scatter [tilespmem:s10], [sflag:$0x1], $0x80, v3, vm0, $0xb8;
	[tilespmem:$0x10100] =	vst v63  }
0x44: {  	v3 =	vld [tilespmem:$0x20];
	_ =	sdelay $0x4  }
0x45: {  	v58 =	vshll.u32 v3, $0x3  }
0x46: {  	v3 =	vand.u32 $0x7, v3;
	v4 =	vand.u32 $0xFFFFFFC0, v58  }
0x47: {  	v3 =	vor.u32 v3, v4  }
0x48: {  	v4 =	vperm.xlane v3, v0;
	_ =	sdelay $0x1  }
0x49: {  	v4 =	vadd.s32 v1, v4;
	_ =	sdelay $0x4  }
0x4a: {  	[hbm4b:s3+s2] =	stream.indirect_vreg.scatter [tilespmem:s11], [sflag:$0x1], $0x80, v4, vm0, $0xb8;
	[tilespmem:$0x10100] =	vst v63  }
0x4b: {  	v3 =	vperm.xlane v3, v2  }
0x4c: {  	[hbm4b:s4+s2] =	stream.indirect_vreg.scatter [tilespmem:s12], [sflag:$0x1], $0x80, v4, vm0, $0xb8;
	[tilespmem:$0x10100] =	vst v63  }
0x4d: {  	v3 =	vadd.s32 v1, v3  }
0x4e: {  	[hbm4b:s5+s2] =	stream.indirect_vreg.scatter [tilespmem:s13], [sflag:$0x1], $0x80, v4, vm0, $0xb8;
	[tilespmem:$0x10100] =	vst v63  }
0x4f: {  	_ = 	snop  }
0x50: {  	[hbm4b:s6+s2] =	stream.indirect_vreg.scatter [tilespmem:s14], [sflag:$0x1], $0x80, v4, vm0, $0xb8;
	[tilespmem:$0x10100] =	vst v63  }
0x51: {  	_ = 	snop  }
0x52: {  	[hbm4b:s3+s2] =	stream.indirect_vreg.scatter [tilespmem:s15], [sflag:$0x1], $0x80, v3, vm0, $0xb8;
	[tilespmem:$0x10100] =	vst v63  }
0x53: {  	_ = 	snop  }
0x54: {  	[hbm4b:s4+s2] =	stream.indirect_vreg.scatter [tilespmem:s16], [sflag:$0x1], $0x80, v3, vm0, $0xb8;
	[tilespmem:$0x10100] =	vst v63  }
0x55: {  	_ = 	snop  }
0x56: {  	[hbm4b:s5+s2] =	stream.indirect_vreg.scatter [tilespmem:s17], [sflag:$0x1], $0x80, v3, vm0, $0xb8;
	[tilespmem:$0x10100] =	vst v63  }
0x57: {  	_ = 	snop  }
0x58: {  	[hbm4b:s6+s2] =	stream.indirect_vreg.scatter [tilespmem:s9], [sflag:$0x1], $0x80, v3, vm0, $0xb8;
	[tilespmem:$0x10100] =	vst v63  }
0x59: {  	v3 =	vld [tilespmem:$0x30];
	_ =	sdelay $0x4  }
0x5a: {  	v59 =	vshll.u32 v3, $0x3  }
0x5b: {  	v3 =	vand.u32 $0x7, v3;
	v4 =	vand.u32 $0xFFFFFFC0, v59  }
0x5c: {  	v3 =	vor.u32 v3, v4  }
0x5d: {  	v4 =	vperm.xlane v3, v0;
	_ =	sdelay $0x1  }
0x5e: {  	v4 =	vadd.s32 v1, v4;
	_ =	sdelay $0x3  }
0x5f: {  	s0 =	simm.s32 $0xC100  }
0x60: {  	[hbm4b:s3+s2] =	stream.indirect_vreg.scatter [tilespmem:s0], [sflag:$0x1], $0x80, v4, vm0, $0xb8;
	[tilespmem:$0x10100] =	vst v63  }
0x61: {  	v3 =	vperm.xlane v3, v2;
	s0 =	simm.s32 $0xC900  }
0x62: {  	[hbm4b:s4+s2] =	stream.indirect_vreg.scatter [tilespmem:s0], [sflag:$0x1], $0x80, v4, vm0, $0xb8;
	[tilespmem:$0x10100] =	vst v63  }
0x63: {  	v3 =	vadd.s32 v1, v3;
	s0 =	simm.s32 $0xD100  }
0x64: {  	[hbm4b:s5+s2] =	stream.indirect_vreg.scatter [tilespmem:s0], [sflag:$0x1], $0x80, v4, vm0, $0xb8;
	[tilespmem:$0x10100] =	vst v63  }
0x65: {  	s0 =	simm.s32 $0xD900  }
0x66: {  	[hbm4b:s6+s2] =	stream.indirect_vreg.scatter [tilespmem:s0], [sflag:$0x1], $0x80, v4, vm0, $0xb8;
	[tilespmem:$0x10100] =	vst v63  }
0x67: {  	s0 =	simm.s32 $0xE100  }
0x68: {  	[hbm4b:s3+s2] =	stream.indirect_vreg.scatter [tilespmem:s0], [sflag:$0x1], $0x80, v3, vm0, $0xb8;
	[tilespmem:$0x10100] =	vst v63  }
0x69: {  	s0 =	simm.s32 $0xE900  }
0x6a: {  	[hbm4b:s4+s2] =	stream.indirect_vreg.scatter [tilespmem:s0], [sflag:$0x1], $0x80, v3, vm0, $0xb8;
	[tilespmem:$0x10100] =	vst v63  }
0x6b: {  	s0 =	simm.s32 $0xF100  }
0x6c: {  	[hbm4b:s5+s2] =	stream.indirect_vreg.scatter [tilespmem:s0], [sflag:$0x1], $0x80, v3, vm0, $0xb8;
	[tilespmem:$0x10100] =	vst v63  }
0x6d: {  	s0 =	simm.s32 $0xF900  }
0x6e: {  	[hbm4b:s6+s2] =	stream.indirect_vreg.scatter [tilespmem:s0], [sflag:$0x1], $0x80, v3, vm0, $0xb8;
	[tilespmem:$0x10100] =	vst v63  }
0x6f: {  	v3 =	vld [tilespmem:$0x80];
	_ =	sdelay $0x4  }
0x70: {  	v60 =	vshll.u32 v3, $0x3  }
0x71: {  	v3 =	vand.u32 $0x7, v3;
	v4 =	vand.u32 $0xFFFFFFC0, v60  }
0x72: {  	v3 =	vor.u32 v3, v4  }
0x73: {  	v4 =	vperm.xlane v3, v0;
	_ =	sdelay $0x1  }
0x74: {  	v4 =	vadd.s32 v1, v4;
	_ =	sdelay $0x4  }
0x75: {  	[hbm4b:s3+s2] =	stream.indirect_vreg.scatter [tilespmem:s8], [sflag:$0x1], $0x80, v4, vm0, $0xb8;
	[tilespmem:$0x10100] =	vst v63  }
0x76: {  	v3 =	vperm.xlane v3, v2  }
0x77: {  	[hbm4b:s4+s2] =	stream.indirect_vreg.scatter [tilespmem:s19], [sflag:$0x1], $0x80, v4, vm0, $0xb8;
	[tilespmem:$0x10100] =	vst v63  }
0x78: {  	v3 =	vadd.s32 v1, v3  }
0x79: {  	[hbm4b:s5+s2] =	stream.indirect_vreg.scatter [tilespmem:s20], [sflag:$0x1], $0x80, v4, vm0, $0xb8;
	[tilespmem:$0x10100] =	vst v63  }
0x7a: {  	_ = 	snop  }
0x7b: {  	[hbm4b:s6+s2] =	stream.indirect_vreg.scatter [tilespmem:s21], [sflag:$0x1], $0x80, v4, vm0, $0xb8;
	[tilespmem:$0x10100] =	vst v63  }
0x7c: {  	_ = 	snop  }
0x7d: {  	[hbm4b:s3+s2] =	stream.indirect_vreg.scatter [tilespmem:s22], [sflag:$0x1], $0x80, v3, vm0, $0xb8;
	[tilespmem:$0x10100] =	vst v63  }
0x7e: {  	_ = 	snop  }
0x7f: {  	[hbm4b:s4+s2] =	stream.indirect_vreg.scatter [tilespmem:s23], [sflag:$0x1], $0x80, v3, vm0, $0xb8;
	[tilespmem:$0x10100] =	vst v63  }
0x80: {  	_ = 	snop  }
0x81: {  	[hbm4b:s5+s2] =	stream.indirect_vreg.scatter [tilespmem:s24], [sflag:$0x1], $0x80, v3, vm0, $0xb8;
	[tilespmem:$0x10100] =	vst v63  }
0x82: {  	_ = 	snop  }
0x83: {  	[hbm4b:s6+s2] =	stream.indirect_vreg.scatter [tilespmem:s25], [sflag:$0x1], $0x80, v3, vm0, $0xb8;
	[tilespmem:$0x10100] =	vst v63  }
0x84: {  	v3 =	vld [tilespmem:$0x90];
	_ =	sdelay $0x4  }
0x85: {  	v61 =	vshll.u32 v3, $0x3  }
0x86: {  	v3 =	vand.u32 $0x7, v3;
	v4 =	vand.u32 $0xFFFFFFC0, v61  }
0x87: {  	v3 =	vor.u32 v3, v4  }
0x88: {  	v4 =	vperm.xlane v3, v0;
	_ =	sdelay $0x1  }
0x89: {  	v4 =	vadd.s32 v1, v4;
	_ =	sdelay $0x4  }
0x8a: {  	[hbm4b:s3+s2] =	stream.indirect_vreg.scatter [tilespmem:s26], [sflag:$0x1], $0x80, v4, vm0, $0xb8;
	[tilespmem:$0x10100] =	vst v63  }
0x8b: {  	v3 =	vperm.xlane v3, v2  }
0x8c: {  	[hbm4b:s4+s2] =	stream.indirect_vreg.scatter [tilespmem:s28], [sflag:$0x1], $0x80, v4, vm0, $0xb8;
	[tilespmem:$0x10100] =	vst v63  }
0x8d: {  	v3 =	vadd.s32 v1, v3  }
0x8e: {  	[hbm4b:s5+s2] =	stream.indirect_vreg.scatter [tilespmem:s29], [sflag:$0x1], $0x80, v4, vm0, $0xb8;
	[tilespmem:$0x10100] =	vst v63  }
0x8f: {  	_ = 	snop  }
0x90: {  	[hbm4b:s6+s2] =	stream.indirect_vreg.scatter [tilespmem:s30], [sflag:$0x1], $0x80, v4, vm0, $0xb8;
	[tilespmem:$0x10100] =	vst v63  }
0x91: {  	_ = 	snop  }
0x92: {  	[hbm4b:s3+s2] =	stream.indirect_vreg.scatter [tilespmem:s31], [sflag:$0x1], $0x80, v3, vm0, $0xb8;
	[tilespmem:$0x10100] =	vst v63  }
0x93: {  	s19 =	simm.s32 $0x6900  }
0x94: {  	[hbm4b:s4+s2] =	stream.indirect_vreg.scatter [tilespmem:s19], [sflag:$0x1], $0x80, v3, vm0, $0xb8;
	[tilespmem:$0x10100] =	vst v63  }
0x95: {  	_ = 	snop  }
0x96: {  	[hbm4b:s5+s2] =	stream.indirect_vreg.scatter [tilespmem:s1], [sflag:$0x1], $0x80, v3, vm0, $0xb8;
	[tilespmem:$0x10100] =	vst v63  }
0x97: {  	_ = 	snop  }
0x98: {  	[hbm4b:s6+s2] =	stream.indirect_vreg.scatter [tilespmem:s10], [sflag:$0x1], $0x80, v3, vm0, $0xb8;
	[tilespmem:$0x10100] =	vst v63  }
0x99: {  	v3 =	vld [tilespmem:$0xA0];
	_ =	sdelay $0x4  }
0x9a: {  	v62 =	vshll.u32 v3, $0x3  }
0x9b: {  	v3 =	vand.u32 $0x7, v3;
	v4 =	vand.u32 $0xFFFFFFC0, v62  }
0x9c: {  	v3 =	vor.u32 v3, v4  }
0x9d: {  	v4 =	vperm.xlane v3, v0;
	_ =	sdelay $0x1  }
0x9e: {  	v4 =	vadd.s32 v1, v4;
	_ =	sdelay $0x4  }
0x9f: {  	[hbm4b:s3+s2] =	stream.indirect_vreg.scatter [tilespmem:s11], [sflag:$0x1], $0x80, v4, vm0, $0xb8;
	[tilespmem:$0x10100] =	vst v63  }
0xa0: {  	v3 =	vperm.xlane v3, v2  }
0xa1: {  	[hbm4b:s4+s2] =	stream.indirect_vreg.scatter [tilespmem:s12], [sflag:$0x1], $0x80, v4, vm0, $0xb8;
	[tilespmem:$0x10100] =	vst v63  }
0xa2: {  	v3 =	vadd.s32 v1, v3  }
0xa3: {  	[hbm4b:s5+s2] =	stream.indirect_vreg.scatter [tilespmem:s13], [sflag:$0x1], $0x80, v4, vm0, $0xb8;
	[tilespmem:$0x10100] =	vst v63  }
0xa4: {  	_ = 	snop  }
0xa5: {  	[hbm4b:s6+s2] =	stream.indirect_vreg.scatter [tilespmem:s14], [sflag:$0x1], $0x80, v4, vm0, $0xb8;
	[tilespmem:$0x10100] =	vst v63  }
0xa6: {  	_ = 	snop  }
0xa7: {  	[hbm4b:s3+s2] =	stream.indirect_vreg.scatter [tilespmem:s15], [sflag:$0x1], $0x80, v3, vm0, $0xb8;
	[tilespmem:$0x10100] =	vst v63  }
0xa8: {  	_ = 	snop  }
0xa9: {  	[hbm4b:s4+s2] =	stream.indirect_vreg.scatter [tilespmem:s16], [sflag:$0x1], $0x80, v3, vm0, $0xb8;
	[tilespmem:$0x10100] =	vst v63  }
0xaa: {  	_ = 	snop  }
0xab: {  	[hbm4b:s5+s2] =	stream.indirect_vreg.scatter [tilespmem:s17], [sflag:$0x1], $0x80, v3, vm0, $0xb8;
	[tilespmem:$0x10100] =	vst v63  }
0xac: {  	_ = 	snop  }
0xad: {  	[hbm4b:s6+s2] =	stream.indirect_vreg.scatter [tilespmem:s9], [sflag:$0x1], $0x80, v3, vm0, $0xb8;
	[tilespmem:$0x10100] =	vst v63  }
0xae: {  	v3 =	vld [tilespmem:$0xB0];
	_ =	sdelay $0x4  }
0xaf: {  	v63 =	vshll.u32 v3, $0x3  }
0xb0: {  	v3 =	vand.u32 $0x7, v3;
	v4 =	vand.u32 $0xFFFFFFC0, v63  }
0xb1: {  	v3 =	vor.u32 v3, v4  }
0xb2: {  	v4 =	vperm.xlane v3, v0;
	_ =	sdelay $0x1  }
0xb3: {  	v4 =	vadd.s32 v1, v4;
	_ =	sdelay $0x3  }
0xb4: {  	s19 =	simm.s32 $0xC100  }
0xb5: {  	[hbm4b:s3+s2] =	stream.indirect_vreg.scatter [tilespmem:s19], [sflag:$0x1], $0x80, v4, vm0, $0xb8;
	[tilespmem:$0x10100] =	vst v63  }
0xb6: {  	s8 =	simm.s32 $0xC900;
	v3 =	vperm.xlane v3, v2  }
0xb7: {  	[hbm4b:s4+s2] =	stream.indirect_vreg.scatter [tilespmem:s8], [sflag:$0x1], $0x80, v4, vm0, $0xb8;
	[tilespmem:$0x10100] =	vst v63  }
0xb8: {  	v3 =	vadd.s32 v1, v3;
	s19 =	simm.s32 $0xD100  }
0xb9: {  	[hbm4b:s5+s2] =	stream.indirect_vreg.scatter [tilespmem:s19], [sflag:$0x1], $0x80, v4, vm0, $0xb8;
	[tilespmem:$0x10100] =	vst v63  }
0xba: {  	s8 =	simm.s32 $0xD900  }
0xbb: {  	[hbm4b:s6+s2] =	stream.indirect_vreg.scatter [tilespmem:s8], [sflag:$0x1], $0x80, v4, vm0, $0xb8;
	[tilespmem:$0x10100] =	vst v63  }
0xbc: {  	s19 =	simm.s32 $0xE100  }
0xbd: {  	[hbm4b:s3+s2] =	stream.indirect_vreg.scatter [tilespmem:s19], [sflag:$0x1], $0x80, v3, vm0, $0xb8;
	[tilespmem:$0x10100] =	vst v63  }
0xbe: {  	s8 =	simm.s32 $0xE900  }
0xbf: {  	[hbm4b:s4+s2] =	stream.indirect_vreg.scatter [tilespmem:s8], [sflag:$0x1], $0x80, v3, vm0, $0xb8;
	[tilespmem:$0x10100] =	vst v63  }
0xc0: {  	s19 =	simm.s32 $0xF100  }
0xc1: {  	[hbm4b:s5+s2] =	stream.indirect_vreg.scatter [tilespmem:s19], [sflag:$0x1], $0x80, v3, vm0, $0xb8;
	[tilespmem:$0x10100] =	vst v63  }
0xc2: {  	_ = 	snop  }
0xc3: {  	[hbm4b:s6+s2] =	stream.indirect_vreg.scatter [tilespmem:s0], [sflag:$0x1], $0x80, v3, vm0, $0xb8;
	[tilespmem:$0x10100] =	vst v63  }
0xc4: {  	p0 =	sne.s32 s7, $0x1;
	_ =	swait.ge [sflag:s18], $0x10000  }
.Ltmp0:
0xc5: {  	[sflag:s18] =	ssyncset.done $0x0;
	(pc) =	sbr.rel @p0 .LBB2_1-.Ltmp0, $4  }
0xc6: {  	[sflag:s18] =	ssyncadd.s32 $0xFFFF0000  }
0xc7: {  	_ =	swait.ge [sflag:s18], $0x10000  }
0xc8: {  	[sflag:s18] =	ssyncset.done $0x0  }
0xc9: {  	s7 =	sadd.s32 $0xFFFFFFFF, s7;
	[sflag:s18] =	ssyncadd.s32 $0xFFFF0000  }
0xca: {  	_ =	sfence.sel $0x180000  }
0xcb: {  	[bflag:$0x0] =	sbarrier.arrive $0xFFFF  }
0xcc: {  	_ =	strace $0x90000047  }
0xcd: {  	s0 =	stileid.u32;
	[bflag:$0x2] =	sbarrier.arrive $0xFFFF  }
0xce: {  	p0 =	sne.s32 s0, $0x0;
	s0 =	rddreg [dreg:$0x2]  }
0xcf: {  	s0 =	sadd.s32 @!p0 $0x100000, s0  }
0xd0: {  	[sflag:s0] =	ssyncadd.tile.s32 @!p0 $0x1;
	_ =	shalt  }
.Lfunc_end2:
_tile_overlayer_lowered:
.L_overlay_start_2:
0xd1: {  	(tag) =	ssettag $0x2  }
0xd2: {  	s0 =	rddreg [dreg:$0x0];
	s2 =	stileid.u32  }
0xd3: {  	s1 =	rddreg [dreg:$0x1];
	p0 =	sne.s32 s2, $0x0  }
0xd4: {  	s3 =	rddreg [dreg:$0x2];
	[bflag:$0x3] =	sbarrier.arrive $0xFFFF;
	s2 =	simm.s32 @!p0 $0x1C02  }
0xd5: {  	[timem:s3], [sflag:s2] =	dma.local @!p0 [hbm:s0], s1  }
0xd6: {  	s0 =	simm.s32 @!p0 $0x2  }
0xd7: {  	_ =	swait.ge @!p0 [sflag:s0], s1  }
0xd8: {  	s1 =	ssub.s32 @!p0 $0x0, s1;
	[sflag:s0] =	ssyncset.done @!p0 $0x0  }
0xd9: {  	[sflag:s0] =	ssyncadd.s32 @!p0 s1  }
0xda: {  	[bflag:$0x3] =	sbarrier.arrive $0xFFFF  }
0xdb: {  	_ =	shalt  }

// kernel: kernel.8.cloned.1.call-start
scs
__scs_entry_jumppad:
0x0: {  	(pc) =	sbr.rel $0x88, $3  }
0x1: {  	(tag) =	ssettag $0x0;
	lr =	simm.s32 $0x1  }
0x2: {  	[smem:$0x3F9B] =	sst lr;
	_ =	strace $0xD0000000  }
0x3: {  	_ = 	snop  }
0x4: {  	_ = 	snop  }
0x5: {  	_ = 	snop  }
0x6: {  	_ = 	snop  }
0x7: {  	_ = 	snop  }
__scs_overlays_trampoline_lowered:
0x8: {  	[smem:$0x3FAA] =	sst s0  }
0x9: {  	[smem:$0x3FAB] =	sst s1  }
0xa: {  	[smem:$0x3FAC] =	sst s2  }
0xb: {  	[smem:$0x3FAD] =	sst s3  }
0xc: {  	[smem:$0x3FAE] =	sst s4  }
0xd: {  	[smem:$0x3FAF] =	sst s5  }
0xe: {  	[smem:$0x3FB0] =	sst s6  }
0xf: {  	[smem:$0x3FB1] =	sst s7  }
0x10: {  	[smem:$0x3FB2] =	sst s8  }
0x11: {  	[smem:$0x3FB3] =	sst s9;
	s0 =	simm.s32 @!p0 $0x0  }
0x12: {  	s1 =	sld [smem:$0x3F99];
	s0 =	simm.s32 @p0 $0x1  }
0x13: {  	[smem:$0x3FB4] =	sst s0;
	s0 =	simm.s32 @!p1 $0x0  }
0x14: {  	s2 =	sld [smem:$0x3F98];
	s0 =	simm.s32 @p1 $0x1  }
0x15: {  	[smem:$0x3FB5] =	sst s0;
	s0 =	simm.s32 @!p2 $0x0  }
0x16: {  	s3 =	sld [smem:$0x3FDB];
	s0 =	simm.s32 @p2 $0x1  }
0x17: {  	s4 =	simm.s32 $0x1BF5;
	[smem:$0x3FB7] =	sst s0  }
0x18: {  	s0 =	sld [smem:$0x3F9A];
	_ =	swait.ge [sflag:s4], $0x0  }
0x19: {  	s7 =	sld [smem:$0x3F9B]  }
0x1a: {  	s8 =	sadd.s32 $0xFFFFE003, lr  }
0x1b: {  	s9 =	sadd.s32 $0xFFFFFEF7, lr;
	s5 =	simm.s32 $0xFFFFFFFF;
	p2 =	slt.u32 s8, $0xFFFFF086  }
0x1c: {  	p1 =	slt.u32 s9, $0xF7A;
	s5 =	simm.s32 @!p2 $0x0  }
0x1d: {  	s5 =	simm.s32 @p1 $0x1;
	p0 =	seq.s32 s7, s2  }
0x1e: {  	s7 =	smul.u32 @!p0 $0xF7A, s2;
	p2 =	seq.s32 @!p0 s5, $0x0  }
0x1f: {  	s9 =	smul.u32 $0xF7A, s1;
	s8 =	simm.s32 @!p0 $0x1BF5;
	p2 =	por !p2, p0  }
0x20: {  	[sflag:s8] =	ssyncset.s32 @!p0 $0xFFFFF086;
	s6 =	sadd.s32 @!p0 s3, s7;
	s7 =	simm.s32 @!p0 $0x108  }
0x21: {  	s3 =	sadd.s32 s3, s9;
	s6 =	sadd.s32 @!p0 $0x88, s6;
	s7 =	simm.s32 @p2 $0x1082  }
0x22: {  	[simem:s7], [sflag:s8] =	dma.local @!p0 [hbm:s6], $0xF7A  }
0x23: {  	s9 =	sor.u32 $0xD0000000, s2;
	s6 =	simm.s32 $0x108;
	_ =	swait.ge @!p0 [sflag:s8], $0x0  }
0x24: {  	s3 =	sadd.s32 $0x88, s3;
	s6 =	simm.s32 @!p1 $0x1082;
	[sflag:s4] =	ssyncset.s32 $0xFFFFF086  }
0x25: {  	[simem:s6], [sflag:s4] =	dma.local [hbm:s3], $0xF7A  }
0x26: {  	[smem:$0x3F9B] =	sst s1;
	(tag) =	ssettag s2;
	_ =	strace s9  }
0x27: {  	s1 =	sld [smem:$0x3FAB]  }
0x28: {  	s2 =	sld [smem:$0x3FAC]  }
0x29: {  	s4 =	sld [smem:$0x3FAE]  }
0x2a: {  	p0 =	seq.s32 s5, $0x0;
	s5 =	sld [smem:$0x3FAF]  }
0x2b: {  	s6 =	sld [smem:$0x3FB0]  }
0x2c: {  	s7 =	sld [smem:$0x3FB1]  }
0x2d: {  	s3 =	simm.s32 $0x108;
	s8 =	sld [smem:$0x3FB2]  }
0x2e: {  	s3 =	simm.s32 @!p0 $0x1082;
	s9 =	sld [smem:$0x3FB3]  }
0x2f: {  	lr =	sadd.s32 s0, s3;
	s0 =	sld [smem:$0x3FAA]  }
0x30: {  	s3 =	sld [smem:$0x3FAD]  }
0x31: {  	[smem:$0x3FB6] =	sst s10  }
0x32: {  	s10 =	sld [smem:$0x3FB4];
	_ =	sdelay $0x3  }
0x33: {  	p0 =	seq.s32 s10, $0x1;
	s10 =	sld [smem:$0x3FB6];
	_ =	sdelay $0x3  }
0x34: {  	[smem:$0x3FB6] =	sst s10  }
0x35: {  	s10 =	sld [smem:$0x3FB5];
	_ =	sdelay $0x3  }
0x36: {  	p1 =	seq.s32 s10, $0x1;
	s10 =	sld [smem:$0x3FB6];
	_ =	sdelay $0x3  }
0x37: {  	[smem:$0x3FB6] =	sst s10  }
0x38: {  	s10 =	sld [smem:$0x3FB7]  }
0x39: {  	_ = 	snop;
	(pc) =	sbr.ind lr, $3  }
0x3a: {  	_ = 	snop  }
0x3b: {  	_ = 	snop  }
0x3c: {  	p2 =	seq.s32 s10, $0x1;
	s10 =	sld [smem:$0x3FB6]  }
0x3d: {  	_ =	shalt  }
0x3e: {  	_ =	shalt  }
0x3f: {  	_ =	shalt  }
0x40: {  	_ =	shalt  }
0x41: {  	_ =	shalt  }
0x42: {  	_ =	shalt  }
0x43: {  	_ =	shalt  }
0x44: {  	_ =	shalt  }
0x45: {  	_ =	shalt  }
0x46: {  	_ =	shalt  }
0x47: {  	_ =	shalt  }
0x48: {  	_ =	shalt  }
0x49: {  	_ =	shalt  }
0x4a: {  	_ =	shalt  }
0x4b: {  	_ =	shalt  }
0x4c: {  	_ =	shalt  }
0x4d: {  	_ =	shalt  }
0x4e: {  	_ =	shalt  }
0x4f: {  	_ =	shalt  }
0x50: {  	_ =	shalt  }
0x51: {  	_ =	shalt  }
0x52: {  	_ =	shalt  }
0x53: {  	_ =	shalt  }
0x54: {  	_ =	shalt  }
0x55: {  	_ =	shalt  }
0x56: {  	_ =	shalt  }
0x57: {  	_ =	shalt  }
0x58: {  	_ =	shalt  }
0x59: {  	_ =	shalt  }
0x5a: {  	_ =	shalt  }
0x5b: {  	_ =	shalt  }
0x5c: {  	_ =	shalt  }
0x5d: {  	_ =	shalt  }
0x5e: {  	_ =	shalt  }
0x5f: {  	_ =	shalt  }
0x60: {  	_ =	shalt  }
0x61: {  	_ =	shalt  }
0x62: {  	_ =	shalt  }
0x63: {  	_ =	shalt  }
0x64: {  	_ =	shalt  }
0x65: {  	_ =	shalt  }
0x66: {  	_ =	shalt  }
0x67: {  	_ =	shalt  }
0x68: {  	_ =	shalt  }
0x69: {  	_ =	shalt  }
0x6a: {  	_ =	shalt  }
0x6b: {  	_ =	shalt  }
0x6c: {  	_ =	shalt  }
0x6d: {  	_ =	shalt  }
0x6e: {  	_ =	shalt  }
0x6f: {  	_ =	shalt  }
0x70: {  	_ =	shalt  }
0x71: {  	_ =	shalt  }
0x72: {  	_ =	shalt  }
0x73: {  	_ =	shalt  }
0x74: {  	_ =	shalt  }
0x75: {  	_ =	shalt  }
0x76: {  	_ =	shalt  }
0x77: {  	_ =	shalt  }
0x78: {  	_ =	shalt  }
0x79: {  	_ =	shalt  }
0x7a: {  	_ =	shalt  }
0x7b: {  	_ =	shalt  }
0x7c: {  	_ =	shalt  }
0x7d: {  	_ =	shalt  }
0x7e: {  	_ =	shalt  }
0x7f: {  	_ =	shalt  }
0x80: {  	_ =	shalt  }
0x81: {  	_ =	shalt  }
0x82: {  	_ =	shalt  }
0x83: {  	_ =	shalt  }
0x84: {  	_ =	shalt  }
0x85: {  	_ =	shalt  }
0x86: {  	_ =	shalt  }
0x87: {  	_ =	shalt  }
.Lfunc_end0:
.L_simem_size_0:
called_computation.1_lowered:
.L_overlay_start_0:
0x88: {  	s2 =	sld [smem:$0x3FD9]  }
0x89: {  	s3 =	sld [smem:$0x3FFE];
	_ =	sdelay $0x1  }
0x8a: {  	s1 =	srdreg.scid  }
0x8b: {  	s0 =	sand.u32 $0x1, s1  }
0x8c: {  	s17 =	sshll.u32 s0, $0xA;
	s2 =	sadd.s32 s3, s2  }
0x8d: {  	s2 =	sadd.s32 s2, s17  }
0x8e: {  	[smem:$0x3FC2] =	sst s2  }
0x8f: {  	_ = 	snop  }
0x90: {  	s2 =	sld [smem:$0x3FD0];
	(tm) =	ssettm $0x1  }
0x91: {  	s18 =	sld [smem:$0x3FFB];
	_ =	sdelay $0x3  }
0x92: {  	_ =	strace s18  }
0x93: {  	s3 =	sld [smem:$0x3FFC];
	_ =	sdelay $0x3  }
0x94: {  	_ =	strace s3  }
0x95: {  	s3 =	sld [smem:$0x3FFD];
	_ =	sdelay $0x3  }
0x96: {  	_ =	strace s3  }
0x97: {  	_ =	strace $0x8FFFFFFF  }
0x98: {  	s19 =	sld [smem:$0x3FDB];
	_ =	sdelay $0x1  }
0x99: {  	s4 =	simm.s32 $_scs_section_size  }
0x9a: {  	s5 =	simm.s32 $_size__tile_overlayer_lowered;
	s6 =	simm.s32 $_tile_overlayer_lowered  }
0x9b: {  	s22 =	simm.s32 $0x1BFF;
	s21 =	sshll.u32 s6, $0x1;
	s3 =	sadd.s32 s4, s19  }
0x9c: {  	s7 =	simm.s32 $0x0;
	s20 =	sshll.u32 s5, $0x1;
	s5 =	sadd.s32 s21, s3  }
0x9d: {  	[timem:s7], [sflag:s22] =	dma.local [hbm:s5], s20  }
0x9e: {  	_ =	swait.ge [sflag:s22], s20  }
0x9f: {  	s4 =	ssub.s32 $0x0, s20;
	[sflag:s22] =	ssyncset.done $0x0  }
0xa0: {  	[sflag:s22] =	ssyncadd.s32 s4;
	_ =	sdelay $0x1  }
0xa1: {  	s23 =	simm.s32 $0x1B8B  }
0xa2: {  	_ =	swait.ge [sflag:s23], $0x1  }
0xa3: {  	[sflag:s23] =	ssyncset.done $0x0  }
0xa4: {  	s25 =	simm.s32 $0x1B8E;
	s24 =	sld [smem:$0x3FFE];
	[sflag:s23] =	ssyncadd.s32 $0xFFFFFFFF  }
0xa5: {  	s26 =	simm.s32 $execute0_lowered;
	[smem:$0x3FD2] =	sst s25  }
0xa6: {  	s5 =	sshll.u32 s26, $0x1;
	_ =	strace $0x80000049;
	[dreg:$0x1] =	wrdreg $0xFFFFFFFF  }
0xa7: {  	s28 =	simm.s32 $_size_execute0_lowered;
	s3 =	sadd.s32 s3, s5;
	[dreg:$0x0] =	wrdreg $0x0  }
0xa8: {  	s5 =	sshll.u32 s28, $0x1;
	[dreg:$0x2] =	wrdreg s3  }
0xa9: {  	[dreg:$0x3] =	wrdreg s5  }
0xaa: {  	[dreg:$0x4] =	wrdreg $0xC0  }
0xab: {  	_ =	task [dreg:s7], $0x5FFFF  }
0xac: {  	[dreg:$0x1] =	wrdreg $0xFFFFFFFF  }
0xad: {  	[dreg:$0x0] =	wrdreg $0x60  }
0xae: {  	[dreg:$0x2] =	wrdreg s24  }
0xaf: {  	[dreg:$0x3] =	wrdreg s2  }
0xb0: {  	[dreg:$0x4] =	wrdreg $0x9  }
0xb1: {  	_ =	task.clear_ibuf [dreg:s7], $0x5FFFF;
	_ =	strace $0x90000049  }
0xb2: {  	s29 =	simm.s32 $0x9;
	_ =	strace $0x8000004B  }
0xb3: {  	_ =	swait.ge [sflag:s29], $0x1  }
0xb4: {  	[sflag:s29] =	ssyncadd.s32 $0xFFFFFFFF  }
0xb5: {  	_ =	strace $0x9000004B  }
0xb6: {  	_ =	sfence  }
0xb7: {  	s30 =	sld [smem:$0x0];
	_ =	sdelay $0x2  }
0xb8: {  	s31 =	sshll.u32 s1, $0xD;
	s1 =	sshrl.u32 s1, $0x2  }
0xb9: {  	s3 =	sand.u32 $0x4000, s31;
	s1 =	sadd.s32 s1, s30  }
0xba: {  	s0 =	sor.u32 s3, s0;
	s1 =	sshll.u32 s1, $0x11  }
0xbb: {  	s0 =	sor.u32 s1, s0  }
0xbc: {  	s0 =	sadd.s32 $0x8F2B, s0  }
0xbd: {  	[sflag:s0] =	ssyncadd.remote.s32 $0x1  }
0xbe: {  	_ =	sfence.sel $0xFFFF  }
0xbf: {  	[dreg:$0x0] =	wrdreg $0xFFFFFFFF;
	(pc) =	sbr.abs _section_cstart, $3  }
0xc0: {  	[dreg:$0x1] =	wrdreg $0xFFFFFFFF  }
0xc1: {  	_ =	task.clear_ibuf [dreg:s7], $0x2FFFF;
	_ =	strace $0x9FFFFFFF  }
0xc2: {  	(tm) =	ssettm $0x7FFFFFFF  }
0xc3: {  	_ =	shalt  }
tec
execute0_lowered:
.L_overlay_start_1:
0x0: {  	(tag) =	ssettag $0x1  }
0x1: {  	s0 =	rddreg [dreg:$0x0]  }
0x2: {  	s1 =	rddreg [dreg:$0x1];
	s4 =	simm.s32 $0x0  }
0x3: {  	s2 =	srdreg.scid;
	s3 =	stileid.u32;
	s11 =	simm.s32 $0x2  }
0x4: {  	s13 =	simm.s32 $0x2100;
	s12 =	simm.s32 $0xC100;
	s10 =	simm.s32 $0xD900  }
0x5: {  	s14 =	simm.s32 $0xE900;
	s15 =	simm.s32 $0xF100;
	s16 =	simm.s32 $0xF900  }
0x6: {  	s17 =	simm.s32 $0x10100;
	s18 =	simm.s32 $0x10900;
	s19 =	simm.s32 $0x11100  }
0x7: {  	s20 =	simm.s32 $0x11900;
	s21 =	simm.s32 $0x1;
	s24 =	simm.s32 $0x0  }
0x8: {  	[smem:$0x7FF] =	sst s4;
	s2 =	sand.u32 $0x1, s2;
	s3 =	sshll.u32 s3, $0x1  }
0x9: {  	s8 =	sadd.s32 $0xC8700, s0;
	_ =	strace $0x8000004A;
	s29 =	sor.u32 s2, s3  }
0xa: {  	s3 =	sadd.s32 $0xC8400, s0;
	s2 =	ssub.s32 $0x2, s2;
	s5 =	sshll.u32 s29, $0xA  }
0xb: {  	s6 =	sshrl.u32 s2, $0x1;
	s7 =	sshll.u32 s29, $0x5;
	s4 =	sshll.u32 s29, $0xD  }
0xc: {  	s5 =	sadd.s32 s5, s0;
	s2 =	ssub.s32 s2, s6;
	s30 =	sadd.s32 s0, s7  }
0xd: {  	s6 =	sadd.s32 $0xC8500, s0;
	s7 =	sadd.s32 $0xC8600, s0;
	s9 =	sadd.s32 s1, s4  }
0xe: {  	v2 =	vlaneseq.u32;
	s4 =	simm.s32 $0xC900;
	[dreg:$0x3] =	wrdreg s30;
	s5 =	sadd.s32 $0xC0400, s5  }
0xf: {  	vm0 =	vmmov $0xffff;
	v1 =	vshrl.u32 v2, $0x3;
	s1 =	simm.s32 $0x0;
	s31 =	smax.u32 s2, $0x1;
	[dreg:$0x4] =	wrdreg s5  }
0x10: {  	v0 =	vand.u32 $0x7, v2;
	v2 =	vor.u32 $0x8, v2;
	v1 =	vmul.u32 $0x8, v1;
	s2 =	simm.s32 $0xE100;
	[dreg:$0x5] =	wrdreg s31;
	s5 =	simm.s32 $0xD100  }
.LBB2_1:
0x11: {  	[dreg:$0x6] =	wrdreg s1  }
0x12: {  	s0 =	simm.s32 $0x0;
	s31 =	rddreg [dreg:$0x3]  }
0x13: {  	[tilespmem:s0], [sflag:$0x2] =	stream.linear.gather [hbm4b:s31+s0], $0x100, $0x38;
	[tilespmem:$0x12100] =	vst v63  }
0x14: {  	_ =	swait.ge [sflag:s11], $0x100  }
0x15: {  	[sflag:s11] =	ssyncset.done $0x0  }
0x16: {  	s23 =	simm.s32 $0x100;
	s22 =	rddreg [dreg:$0x4];
	[sflag:s11] =	ssyncadd.s32 $0xFFFFFF00  }
0x17: {  	[tilespmem:s23], [sflag:$0x2] =	stream.linear.gather [hbm4b:s22+s0], $0x2000, $0x38;
	[tilespmem:$0x12100] =	vst v63  }
0x18: {  	_ =	swait.ge [sflag:s11], $0x2000  }
0x19: {  	s1 =	simm.s32 $0x0;
	[sflag:s11] =	ssyncset.done $0x0  }
0x1a: {  	p1 =	por $0x1, $0x1;
	s22 =	simm.s32 $0x0;
	[sflag:s11] =	ssyncadd.s32 $0xFFFFE000  }
.LBB2_2:
0x1b: {  	s23 =	sshll.u32 s22, $0x5  }
0x1c: {  	v3 =	vld [tilespmem:s23+$0x0];
	_ =	sdelay $0x4  }
0x1d: {  	v4 =	vshll.u32 v3, $0x3  }
0x1e: {  	v3 =	vand.u32 $0x7, v3;
	v4 =	vand.u32 $0xFFFFFFC0, v4  }
0x1f: {  	v3 =	vor.u32 v3, v4  }
0x20: {  	v4 =	vperm.xlane v3, v0;
	_ =	sdelay $0x1  }
0x21: {  	v4 =	vadd.s32 v1, v4;
	_ =	sdelay $0x4  }
0x22: {  	[tilespmem:s13], [sflag:$0x1] =	stream.indirect_vreg.gather [hbm4b:s3+s24], $0x80, v4, vm0, $0xb8;
	[tilespmem:$0x12100] =	vst v63  }
0x23: {  	s0 =	simm.s32 $0x2900;
	v3 =	vperm.xlane v3, v2  }
0x24: {  	[tilespmem:s0], [sflag:$0x1] =	stream.indirect_vreg.gather [hbm4b:s6+s24], $0x80, v4, vm0, $0xb8;
	[tilespmem:$0x12100] =	vst v63  }
0x25: {  	s25 =	simm.s32 $0x3100;
	v3 =	vadd.s32 v1, v3  }
0x26: {  	[tilespmem:s25], [sflag:$0x1] =	stream.indirect_vreg.gather [hbm4b:s7+s24], $0x80, v4, vm0, $0xb8;
	[tilespmem:$0x12100] =	vst v63  }
0x27: {  	s26 =	simm.s32 $0x3900  }
0x28: {  	[tilespmem:s26], [sflag:$0x1] =	stream.indirect_vreg.gather [hbm4b:s8+s24], $0x80, v4, vm0, $0xb8;
	[tilespmem:$0x12100] =	vst v63  }
0x29: {  	s28 =	simm.s32 $0x4100  }
0x2a: {  	[tilespmem:s28], [sflag:$0x1] =	stream.indirect_vreg.gather [hbm4b:s3+s24], $0x80, v3, vm0, $0xb8;
	[tilespmem:$0x12100] =	vst v63  }
0x2b: {  	s29 =	simm.s32 $0x4900  }
0x2c: {  	[tilespmem:s29], [sflag:$0x1] =	stream.indirect_vreg.gather [hbm4b:s6+s24], $0x80, v3, vm0, $0xb8;
	[tilespmem:$0x12100] =	vst v63  }
0x2d: {  	s30 =	simm.s32 $0x5100  }
0x2e: {  	[tilespmem:s30], [sflag:$0x1] =	stream.indirect_vreg.gather [hbm4b:s7+s24], $0x80, v3, vm0, $0xb8;
	[tilespmem:$0x12100] =	vst v63  }
0x2f: {  	s31 =	simm.s32 $0x5900  }
0x30: {  	[tilespmem:s31], [sflag:$0x1] =	stream.indirect_vreg.gather [hbm4b:s8+s24], $0x80, v3, vm0, $0xb8;
	[tilespmem:$0x12100] =	vst v63  }
0x31: {  	v3 =	vld [tilespmem:s23+$0x10];
	_ =	sdelay $0x4  }
0x32: {  	v61 =	vshll.u32 v3, $0x3  }
0x33: {  	v3 =	vand.u32 $0x7, v3;
	v4 =	vand.u32 $0xFFFFFFC0, v61  }
0x34: {  	v3 =	vor.u32 v3, v4  }
0x35: {  	v4 =	vperm.xlane v3, v0;
	_ =	sdelay $0x1  }
0x36: {  	v4 =	vadd.s32 v1, v4;
	_ =	sdelay $0x3  }
0x37: {  	s25 =	simm.s32 $0x6100  }
0x38: {  	[tilespmem:s25], [sflag:$0x1] =	stream.indirect_vreg.gather [hbm4b:s3+s24], $0x80, v4, vm0, $0xb8;
	[tilespmem:$0x12100] =	vst v63  }
0x39: {  	s26 =	simm.s32 $0x6900;
	v3 =	vperm.xlane v3, v2  }
0x3a: {  	[tilespmem:s26], [sflag:$0x1] =	stream.indirect_vreg.gather [hbm4b:s6+s24], $0x80, v4, vm0, $0xb8;
	[tilespmem:$0x12100] =	vst v63  }
0x3b: {  	s28 =	simm.s32 $0x7100;
	v3 =	vadd.s32 v1, v3  }
0x3c: {  	[tilespmem:s28], [sflag:$0x1] =	stream.indirect_vreg.gather [hbm4b:s7+s24], $0x80, v4, vm0, $0xb8;
	[tilespmem:$0x12100] =	vst v63  }
0x3d: {  	s29 =	simm.s32 $0x7900  }
0x3e: {  	[tilespmem:s29], [sflag:$0x1] =	stream.indirect_vreg.gather [hbm4b:s8+s24], $0x80, v4, vm0, $0xb8;
	[tilespmem:$0x12100] =	vst v63  }
0x3f: {  	s30 =	simm.s32 $0x8100  }
0x40: {  	[tilespmem:s30], [sflag:$0x1] =	stream.indirect_vreg.gather [hbm4b:s3+s24], $0x80, v3, vm0, $0xb8;
	[tilespmem:$0x12100] =	vst v63  }
0x41: {  	s31 =	simm.s32 $0x8900  }
0x42: {  	[tilespmem:s31], [sflag:$0x1] =	stream.indirect_vreg.gather [hbm4b:s6+s24], $0x80, v3, vm0, $0xb8;
	[tilespmem:$0x12100] =	vst v63  }
0x43: {  	s25 =	simm.s32 $0x9100  }
0x44: {  	[tilespmem:s25], [sflag:$0x1] =	stream.indirect_vreg.gather [hbm4b:s7+s24], $0x80, v3, vm0, $0xb8;
	[tilespmem:$0x12100] =	vst v63  }
0x45: {  	s26 =	simm.s32 $0x9900  }
0x46: {  	[tilespmem:s26], [sflag:$0x1] =	stream.indirect_vreg.gather [hbm4b:s8+s24], $0x80, v3, vm0, $0xb8;
	[tilespmem:$0x12100] =	vst v63  }
0x47: {  	v3 =	vld [tilespmem:s23+$0x80];
	_ =	sdelay $0x4  }
0x48: {  	v62 =	vshll.u32 v3, $0x3  }
0x49: {  	v3 =	vand.u32 $0x7, v3;
	v4 =	vand.u32 $0xFFFFFFC0, v62  }
0x4a: {  	v3 =	vor.u32 v3, v4  }
0x4b: {  	v4 =	vperm.xlane v3, v0;
	_ =	sdelay $0x1  }
0x4c: {  	v4 =	vadd.s32 v1, v4;
	_ =	sdelay $0x3  }
0x4d: {  	s28 =	simm.s32 $0xA100  }
0x4e: {  	[tilespmem:s28], [sflag:$0x1] =	stream.indirect_vreg.gather [hbm4b:s3+s24], $0x80, v4, vm0, $0xb8;
	[tilespmem:$0x12100] =	vst v63  }
0x4f: {  	s29 =	simm.s32 $0xA900;
	v3 =	vperm.xlane v3, v2  }
0x50: {  	[tilespmem:s29], [sflag:$0x1] =	stream.indirect_vreg.gather [hbm4b:s6+s24], $0x80, v4, vm0, $0xb8;
	[tilespmem:$0x12100] =	vst v63  }
0x51: {  	s30 =	simm.s32 $0xB100;
	v3 =	vadd.s32 v1, v3  }
0x52: {  	[tilespmem:s30], [sflag:$0x1] =	stream.indirect_vreg.gather [hbm4b:s7+s24], $0x80, v4, vm0, $0xb8;
	[tilespmem:$0x12100] =	vst v63  }
0x53: {  	s31 =	simm.s32 $0xB900  }
0x54: {  	[tilespmem:s31], [sflag:$0x1] =	stream.indirect_vreg.gather [hbm4b:s8+s24], $0x80, v4, vm0, $0xb8;
	[tilespmem:$0x12100] =	vst v63  }
0x55: {  	_ = 	snop  }
0x56: {  	[tilespmem:s12], [sflag:$0x1] =	stream.indirect_vreg.gather [hbm4b:s3+s24], $0x80, v3, vm0, $0xb8;
	[tilespmem:$0x12100] =	vst v63  }
0x57: {  	_ = 	snop  }
0x58: {  	[tilespmem:s4], [sflag:$0x1] =	stream.indirect_vreg.gather [hbm4b:s6+s24], $0x80, v3, vm0, $0xb8;
	[tilespmem:$0x12100] =	vst v63  }
0x59: {  	_ = 	snop  }
0x5a: {  	[tilespmem:s5], [sflag:$0x1] =	stream.indirect_vreg.gather [hbm4b:s7+s24], $0x80, v3, vm0, $0xb8;
	[tilespmem:$0x12100] =	vst v63  }
0x5b: {  	_ = 	snop  }
0x5c: {  	[tilespmem:s10], [sflag:$0x1] =	stream.indirect_vreg.gather [hbm4b:s8+s24], $0x80, v3, vm0, $0xb8;
	[tilespmem:$0x12100] =	vst v63  }
0x5d: {  	v3 =	vld [tilespmem:s23+$0x90];
	_ =	sdelay $0x4  }
0x5e: {  	v63 =	vshll.u32 v3, $0x3  }
0x5f: {  	v3 =	vand.u32 $0x7, v3;
	v4 =	vand.u32 $0xFFFFFFC0, v63  }
0x60: {  	v3 =	vor.u32 v3, v4  }
0x61: {  	v4 =	vperm.xlane v3, v0;
	_ =	sdelay $0x1  }
0x62: {  	v4 =	vadd.s32 v1, v4;
	_ =	sdelay $0x4  }
0x63: {  	[tilespmem:s2], [sflag:$0x1] =	stream.indirect_vreg.gather [hbm4b:s3+s24], $0x80, v4, vm0, $0xb8;
	[tilespmem:$0x12100] =	vst v63  }
0x64: {  	v3 =	vperm.xlane v3, v2  }
0x65: {  	[tilespmem:s14], [sflag:$0x1] =	stream.indirect_vreg.gather [hbm4b:s6+s24], $0x80, v4, vm0, $0xb8;
	[tilespmem:$0x12100] =	vst v63  }
0x66: {  	v3 =	vadd.s32 v1, v3  }
0x67: {  	[tilespmem:s15], [sflag:$0x1] =	stream.indirect_vreg.gather [hbm4b:s7+s24], $0x80, v4, vm0, $0xb8;
	[tilespmem:$0x12100] =	vst v63  }
0x68: {  	_ = 	snop  }
0x69: {  	[tilespmem:s16], [sflag:$0x1] =	stream.indirect_vreg.gather [hbm4b:s8+s24], $0x80, v4, vm0, $0xb8;
	[tilespmem:$0x12100] =	vst v63  }
0x6a: {  	_ = 	snop  }
0x6b: {  	[tilespmem:s17], [sflag:$0x1] =	stream.indirect_vreg.gather [hbm4b:s3+s24], $0x80, v3, vm0, $0xb8;
	[tilespmem:$0x12100] =	vst v63  }
0x6c: {  	_ = 	snop  }
0x6d: {  	[tilespmem:s18], [sflag:$0x1] =	stream.indirect_vreg.gather [hbm4b:s6+s24], $0x80, v3, vm0, $0xb8;
	[tilespmem:$0x12100] =	vst v63  }
0x6e: {  	_ = 	snop  }
0x6f: {  	[tilespmem:s19], [sflag:$0x1] =	stream.indirect_vreg.gather [hbm4b:s7+s24], $0x80, v3, vm0, $0xb8;
	[tilespmem:$0x12100] =	vst v63  }
0x70: {  	_ = 	snop  }
0x71: {  	[tilespmem:s20], [sflag:$0x1] =	stream.indirect_vreg.gather [hbm4b:s8+s24], $0x80, v3, vm0, $0xb8;
	[tilespmem:$0x12100] =	vst v63  }
0x72: {  	_ =	swait.ge [sflag:s21], $0x8000  }
0x73: {  	[sflag:s21] =	ssyncset.done $0x0  }
0x74: {  	[sflag:s21] =	ssyncadd.s32 $0xFFFF8000  }
0x75: {  	_ =	swait.ge [sflag:s21], $0x8000  }
0x76: {  	[sflag:s21] =	ssyncset.done $0x0  }
0x77: {  	p0 =	por p1, p1;
	s25 =	simm.s32 $0x0;
	[sflag:s21] =	ssyncadd.s32 $0xFFFF8000  }
.LBB2_3:
0x78: {  	s26 =	sadd.s32 s23, s25;
	s28 =	sshll.u32 s25, $0xA;
	s29 =	sshll.u32 s25, $0x7  }
0x79: {  	s26 =	sshll.u32 s26, $0x7;
	s28 =	sand.u32 $0x6000, s28;
	s29 =	sand.u32 $0x380, s29  }
0x7a: {  	s30 =	sand.u32 $0x3FFFFF80, s26;
	s26 =	sor.u32 s28, s29;
	s28 =	sand.u32 $0x40, s24  }
0x7b: {  	s29 =	sand.u32 $0x1C00, s24;
	v3 =	vld [tilespmem:s30+$0x100];
	s28 =	sor.u32 s28, s26  }
0x7c: {  	v4 =	vld [tilespmem:s30+$0x110];
	s28 =	sor.u32 s29, s28  }
0x7d: {  	v5 =	vld [tilespmem:s28+$0xA100]  }
0x7e: {  	v7 =	vld [tilespmem:s28+$0xA110]  }
0x7f: {  	v8 =	vld [tilespmem:s28+$0xA120]  }
0x80: {  	v6 =	vld [tilespmem:s28+$0x2100]  }
0x81: {  	v9 =	vld [tilespmem:s28+$0xA130]  }
0x82: {  	v10 =	vld [tilespmem:s28+$0x2110]  }
0x83: {  	s29 =	simm.s32 $0x40;
	v11 =	vld [tilespmem:s28+$0x2120]  }
0x84: {  	s30 =	simm.s32 $0x200;
	s29 =	sand.u32 $0x40, s29;
	v12 =	vld [tilespmem:s28+$0x2130]  }
0x85: {  	s31 =	sand.u32 $0x1C00, s30;
	s29 =	sor.u32 s29, s26  }
0x86: {  	s29 =	sor.u32 s31, s29;
	v13 =	vmul.f32 v6, v3;
	v14 =	vmul.f32 v5, v4  }
0x87: {  	v6 =	vld [tilespmem:s29+$0xA100];
	v10 =	vmul.f32 v10, v3;
	v15 =	vmul.f32 v7, v4  }
0x88: {  	v5 =	vld [tilespmem:s29+$0xA110];
	v11 =	vmul.f32 v11, v3;
	v63 =	vmul.f32 v8, v4;
	v13 =	vadd.f32 v14, v13  }
0x89: {  	v7 =	vld [tilespmem:s29+$0xA120];
	v12 =	vmul.f32 v12, v3;
	v16 =	vmul.f32 v9, v4;
	v15 =	vadd.f32 v15, v10  }
0x8a: {  	v8 =	vld [tilespmem:s29+$0xA130];
	v10 =	vadd.f32 v63, v11;
	[tilespmem:s28+$0x2100] =	vst v13  }
0x8b: {  	s31 =	simm.s32 $0x80;
	v11 =	vadd.f32 v16, v12;
	v9 =	vld [tilespmem:s29+$0x2100];
	[tilespmem:s28+$0x2110] =	vst v15  }
.LBB2_4:
0x8c: {  	p1 =	sne.s32 s31, $0x3C0;
	v12 =	vld [tilespmem:s29+$0x2110];
	[tilespmem:s28+$0x2120] =	vst v10  }
0x8d: {  	v10 =	vld [tilespmem:s29+$0x2120];
	[tilespmem:s28+$0x2130] =	vst v11;
	s28 =	smov.u32 s29  }
0x8e: {  	s30 =	sadd.s32 $0x200, s30;
	s29 =	sand.u32 $0x40, s31;
	v11 =	vld [tilespmem:s28+$0x2130]  }
0x8f: {  	s0 =	sand.u32 $0x1C00, s30;
	s29 =	sor.u32 s29, s26  }
0x90: {  	v13 =	vmul.f32 v6, v4;
	s29 =	sor.u32 s0, s29;
	v9 =	vmul.f32 v9, v3  }
.Ltmp0:
0x91: {  	v14 =	vmul.f32 v5, v4;
	v6 =	vld [tilespmem:s29+$0xA100];
	v12 =	vmul.f32 v12, v3;
	(pc) =	sbr.rel @p1 .LBB2_4-.Ltmp0, $4  }
0x92: {  	v5 =	vld [tilespmem:s29+$0xA110];
	v9 =	vadd.f32 v13, v9;
	v10 =	vmul.f32 v10, v3;
	v13 =	vmul.f32 v7, v4  }
0x93: {  	v7 =	vld [tilespmem:s29+$0xA120];
	v12 =	vadd.f32 v14, v12;
	v11 =	vmul.f32 v11, v3;
	v14 =	vmul.f32 v8, v4  }
0x94: {  	v8 =	vld [tilespmem:s29+$0xA130];
	[tilespmem:s28+$0x2100] =	vst v9;
	v10 =	vadd.f32 v13, v10  }
0x95: {  	s31 =	sadd.s32 $0x40, s31;
	v9 =	vld [tilespmem:s29+$0x2100];
	[tilespmem:s28+$0x2110] =	vst v12;
	v11 =	vadd.f32 v14, v11  }
0x96: {  	v12 =	vld [tilespmem:s29+$0x2110];
	[tilespmem:s28+$0x2120] =	vst v10  }
0x97: {  	v10 =	vld [tilespmem:s29+$0x2120];
	[tilespmem:s28+$0x2130] =	vst v11  }
0x98: {  	v11 =	vld [tilespmem:s29+$0x2130];
	_ =	sdelay $0x1  }
0x99: {  	v6 =	vmul.f32 v6, v4;
	v9 =	vmul.f32 v9, v3  }
0x9a: {  	s25 =	sadd.s32 $0x1, s25;
	v5 =	vmul.f32 v5, v4;
	v12 =	vmul.f32 v12, v3  }
0x9b: {  	p1 =	sne.s32 s25, $0x20;
	v7 =	vmul.f32 v7, v4;
	v6 =	vadd.f32 v6, v9;
	v61 =	vmul.f32 v10, v3  }
.Ltmp1:
0x9c: {  	v62 =	vmul.f32 v8, v4;
	v5 =	vadd.f32 v5, v12;
	v3 =	vmul.f32 v11, v3;
	(pc) =	sbr.rel @p1 .LBB2_3-.Ltmp1, $4  }
0x9d: {  	[tilespmem:s29+$0x2100] =	vst v6;
	v63 =	vadd.f32 v7, v61  }
0x9e: {  	[tilespmem:s29+$0x2110] =	vst v5;
	v3 =	vadd.f32 v62, v3  }
0x9f: {  	[tilespmem:s29+$0x2120] =	vst v63  }
0xa0: {  	[tilespmem:s29+$0x2130] =	vst v3  }
0xa1: {  	s0 =	sshll.u32 s22, $0xC  }
.Ltmp2:
0xa2: {  	s0 =	sadd.s32 s0, s9;
	(pc) =	sbr.rel @p0 .LBB2_2-.Ltmp2, $4  }
0xa3: {  	[hbm4b:s0+s1] =	stream.linear.scatter [tilespmem:s13], [sflag:$0x2], $0x8000, $0x38;
	[tilespmem:$0x12100] =	vst v63  }
0xa4: {  	_ =	swait.ge [sflag:s11], $0x8000  }
0xa5: {  	[sflag:s11] =	ssyncset.done $0x0  }
0xa6: {  	s22 =	simm.s32 $0x1;
	p1 =	por $0x0, $0x0;
	[sflag:s11] =	ssyncadd.s32 $0xFFFF8000  }
0xa7: {  	s1 =	rddreg [dreg:$0x6]  }
0xa8: {  	s0 =	rddreg [dreg:$0x5];
	s1 =	sadd.s32 $0x1, s1  }
0xa9: {  	p0 =	sne.s32 s1, s0  }
.Ltmp3:
0xaa: {  	_ = 	snop;
	(pc) =	sbr.rel @p0 .LBB2_1-.Ltmp3, $1  }
0xab: {  	_ =	sdelay $0x3  }
0xac: {  	_ =	sfence.sel $0x180000  }
0xad: {  	[bflag:$0x0] =	sbarrier.arrive $0xFFFF  }
0xae: {  	_ =	strace $0x9000004A  }
0xaf: {  	s0 =	stileid.u32;
	[bflag:$0x2] =	sbarrier.arrive $0xFFFF  }
0xb0: {  	p0 =	sne.s32 s0, $0x0;
	s0 =	rddreg [dreg:$0x2]  }
0xb1: {  	s0 =	sadd.s32 @!p0 $0x100000, s0  }
0xb2: {  	[sflag:s0] =	ssyncadd.tile.s32 @!p0 $0x1;
	_ =	shalt  }
.Lfunc_end2:
_tile_overlayer_lowered:
.L_overlay_start_2:
0xb3: {  	(tag) =	ssettag $0x2  }
0xb4: {  	s0 =	rddreg [dreg:$0x0];
	s2 =	stileid.u32  }
0xb5: {  	s1 =	rddreg [dreg:$0x1];
	p0 =	sne.s32 s2, $0x0  }
0xb6: {  	s3 =	rddreg [dreg:$0x2];
	[bflag:$0x3] =	sbarrier.arrive $0xFFFF;
	s2 =	simm.s32 @!p0 $0x1C02  }
0xb7: {  	[timem:s3], [sflag:s2] =	dma.local @!p0 [hbm:s0], s1  }
0xb8: {  	s0 =	simm.s32 @!p0 $0x2  }
0xb9: {  	_ =	swait.ge @!p0 [sflag:s0], s1  }
0xba: {  	s1 =	ssub.s32 @!p0 $0x0, s1;
	[sflag:s0] =	ssyncset.done @!p0 $0x0  }
0xbb: {  	[sflag:s0] =	ssyncadd.s32 @!p0 s1  }
0xbc: {  	[bflag:$0x3] =	sbarrier.arrive $0xFFFF  }
0xbd: {  	_ =	shalt  }

</sc_bundles>
